<compile_context>
chip_gen: v7x
topology: tpu7x:2x2x1
jax: 0.10.2.dev20260603
libtpu: 0.0.44.dev20260713+nightly
codegen_flags: <defaults>
</compile_context>

<pallas_src>
import functools

import jax
import jax.numpy as jnp
from jax import lax
from jax.experimental import pallas as pl
from jax.experimental.pallas import tpu as pltpu
from jax.experimental.pallas import tpu_sc as plsc

_TOPK = 4
_EXTRA_FRAMES = (1, 3, 5, 7)
_SHARED_TEACHER = (2, 4, 6)
_SHARED_STUDENT = (1, 2, 3)
_EPS = 1e-8
_NREF = 64
_P = 1024
_H = 512
_D = 192
_B = 256


def _dT(a, b):
    return jax.lax.dot_general(a, b, (((1,), (1,)), ((), ())),
                               preferred_element_type=jnp.float32)


def _den(x2):
    return jnp.maximum(jnp.sqrt(jnp.maximum(x2, 0.0)), _EPS)


def _stage_a(tf_hbm, idx_ref, table_ref, keys_scr, rt_scr, sems):
    key_copies = []
    for i, e in enumerate(_EXTRA_FRAMES):
        for h in range(2):
            key_copies.append(pltpu.make_async_copy(
                tf_hbm.at[pl.ds(e * _P + h * _H, _H)],
                keys_scr.at[2 * i + h], sems.at[2 * i + h]))
    rt_copy = pltpu.make_async_copy(tf_hbm.at[pl.ds(0, _NREF)],
                                    rt_scr, sems.at[8])
    rt_copy.start()
    for c in key_copies:
        c.start()
    rt_copy.wait()

    ref_t = rt_scr[...]
    Nr_t = jnp.sum(ref_t * ref_t, axis=1, keepdims=True)
    rtn = ref_t * (1.0 / jnp.maximum(jnp.sqrt(Nr_t), _EPS))

    zpad = jnp.zeros((_H, 64), jnp.float32)
    sims = []
    for b in range(8):
        key_copies[b].wait()
        bank = keys_scr[b]
        table_ref[pl.ds(b * _H, _H), :] = jnp.concatenate([bank, zpad], 1)
        kn2 = jnp.sum(bank * bank, axis=1, keepdims=True)
        kn = bank * (1.0 / jnp.maximum(jnp.sqrt(kn2), _EPS))
        sims.append(_dT(rtn, kn))
    sim = jnp.concatenate(sims, axis=1)

    lane = jax.lax.broadcasted_iota(jnp.int32, sim.shape, 1)
    work = sim
    for k in range(_TOPK):
        m = jnp.max(work, axis=1, keepdims=True)
        amax = jnp.min(jnp.where(work == m, lane, jnp.int32(4 * _P)),
                       axis=1, keepdims=True)
        idx_ref[:, k:k + 1] = amax
        work = jnp.where(lane == amax, -jnp.inf, work)


def _make_sc_gather():
    info = plsc.get_sparse_core_info()
    nw = info.num_cores * info.num_subcores
    b_per_w = _B // nw
    mesh = plsc.VectorSubcoreMesh(core_axis_name="c", subcore_axis_name="s")

    @functools.partial(
        pl.kernel, mesh=mesh,
        out_type=jax.ShapeDtypeStruct((_B, 256), jnp.float32),
        scratch_types=[
            pltpu.VMEM((b_per_w,), jnp.int32),
            pltpu.VMEM((b_per_w, 256), jnp.float32),
            pltpu.SemaphoreType.DMA,
        ],
    )
    def gather(table_hbm, idx_hbm, out_hbm, idx_v, rows_v, sem):
        wid = lax.axis_index("s") * info.num_cores + lax.axis_index("c")
        base = wid * b_per_w
        pltpu.sync_copy(idx_hbm.at[pl.ds(base, b_per_w)], idx_v)
        pltpu.async_copy(table_hbm.at[idx_v], rows_v, sem).wait()
        pltpu.sync_copy(rows_v, out_hbm.at[pl.ds(base, b_per_w)])

    return gather


def _stage_b(tf_hbm, s_small_ref, gath_ref, out_ref, small_scr, sems):
    f32 = jnp.float32
    copies = []
    for j, f in enumerate((0,) + _SHARED_TEACHER):
        copies.append(pltpu.make_async_copy(
            tf_hbm.at[pl.ds(f * _P, _NREF)], small_scr.at[j], sems.at[j]))
    for c in copies:
        c.start()
    for c in copies:
        c.wait()

    zr = jnp.zeros((_NREF, 64), f32)
    ref_t = jnp.concatenate([small_scr[0], zr], 1)
    ref_s = jnp.concatenate([s_small_ref[0], zr], 1)
    sh_t = jnp.concatenate(
        [jnp.concatenate([small_scr[j], zr], 1) for j in (1, 2, 3)], 0)
    sh_s = jnp.concatenate(
        [jnp.concatenate([s_small_ref[j], zr], 1) for j in (1, 2, 3)], 0)

    Nr_t = jnp.sum(ref_t * ref_t, axis=1, keepdims=True)
    Nr_s = jnp.sum(ref_s * ref_s, axis=1, keepdims=True)
    ones_row = jnp.ones((1, 256), dtype=f32)
    Nm_t = _dT(ones_row, sh_t * sh_t)
    Nm_s = _dT(ones_row, sh_s * sh_s)
    G1t = _dT(ref_t, sh_t)
    G1s = _dT(ref_s, sh_s)

    d_u1t = _den(Nm_t - 2.0 * G1t + Nr_t)
    d_u1s = _den(Nm_s - 2.0 * G1s + Nr_s)

    acc = jnp.float32(0.0)
    for k in range(_TOPK):
        sh = gath_ref[k * _NREF:(k + 1) * _NREF, :]
        Ns = jnp.sum(sh * sh, axis=1, keepdims=True)
        g2t = jnp.sum(ref_t * sh, axis=1, keepdims=True)
        g2s = jnp.sum(ref_s * sh, axis=1, keepdims=True)
        G3t = _dT(sh, sh_t)
        G3s = _dT(sh, sh_s)

        d_vt = _den(Ns - 2.0 * g2t + Nr_t)
        d_vs = _den(Ns - 2.0 * g2s + Nr_s)

        a1t = (G3t - G1t - g2t + Nr_t) / (d_u1t * d_vt)
        a1s = (G3s - G1s - g2s + Nr_s) / (d_u1s * d_vs)
        acc = acc + jnp.sum(jnp.abs(a1s - a1t))

        a2t = (G1t - G3t - g2t + Ns) / (d_vt * _den(Nm_t - 2.0 * G3t + Ns))
        a2s = (G1s - G3s - g2s + Ns) / (d_vs * _den(Nm_s - 2.0 * G3s + Ns))
        acc = acc + jnp.sum(jnp.abs(a2s - a2t))

        a3t = (g2t - G1t - G3t + Nm_t) / (d_u1t * _den(Ns - 2.0 * G3t + Nm_t))
        a3s = (g2s - G1s - G3s + Nm_s) / (d_u1s * _den(Ns - 2.0 * G3s + Nm_s))
        acc = acc + jnp.sum(jnp.abs(a3s - a3t))

    total = _NREF * 192 * _TOPK
    out_ref[...] = jnp.broadcast_to(acc / jnp.float32(total), out_ref.shape)


def kernel(teacher_feats, student_feats, ref_perm, shared_perm):
    del ref_perm, shared_perm
    tf_flat = jax.lax.stop_gradient(teacher_feats).reshape(8 * _P, _D)
    s_small = student_feats[0, :, :_NREF]

    idx, table = pl.pallas_call(
        _stage_a,
        in_specs=[pl.BlockSpec(memory_space=pl.ANY)],
        out_shape=(jax.ShapeDtypeStruct((_NREF, _TOPK), jnp.int32),
                   jax.ShapeDtypeStruct((4 * _P, 256), jnp.float32)),
        scratch_shapes=[
            pltpu.VMEM((8, _H, _D), jnp.float32),
            pltpu.VMEM((_NREF, _D), jnp.float32),
            pltpu.SemaphoreType.DMA((9,)),
        ],
    )(tf_flat)

    idx_kmajor = idx.T.reshape(_B)

    gathered = _make_sc_gather()(table, idx_kmajor)

    out = pl.pallas_call(
        _stage_b,
        in_specs=[pl.BlockSpec(memory_space=pl.ANY),
                  pl.BlockSpec(memory_space=pltpu.VMEM),
                  pl.BlockSpec(memory_space=pltpu.VMEM)],
        out_shape=jax.ShapeDtypeStruct((1, 1), jnp.float32),
        scratch_shapes=[
            pltpu.VMEM((4, _NREF, _D), jnp.float32),
            pltpu.SemaphoreType.DMA((4,)),
        ],
    )(tf_flat, s_small, gathered)
    return out[0, 0]

# --- scband reference (transcript-rebuilt; emitter-appended) ---
"""Pipeline reference for scband-da3-cross-frame-rkdangle-loss-36524401885582 (READ-ONLY COPY).

The authoritative reference and input builder live on the scoring server;
editing this copy changes nothing except your own understanding.
"""

import jax, jax.numpy as jnp
import numpy as np

TOPK = 4
CS = 32
W1 = 1.0; W2 = 1.0; W3 = 1.0
EXTRA_FRAMES = [1, 3, 5, 7]
SHARED_TEACHER = [2, 4, 6]
SHARED_STUDENT = [1, 2, 3]


def _normalize(v, eps=1e-8):
    n = jnp.linalg.norm(v, axis=-1, keepdims=True)
    return v / jnp.maximum(n, eps)


def _cos_angle(a, b):
    return jnp.sum(_normalize(a) * _normalize(b), axis=-1)


def setup_inputs(seed: int = 0) -> dict:
    key = jax.random.key(seed)
    k1, k2 = jax.random.split(key)
    B, S_t, S_s, P, D = 1, 8, 4, 1024, 192
    teacher_feats = jax.random.normal(k1, (B, S_t, P, D), dtype=jnp.float32)
    student_feats = jax.random.normal(k2, (B, S_s, P, D), dtype=jnp.float32)
    ref_perm = jnp.arange(64, dtype=jnp.int32)
    shared_perm = jnp.arange(64, dtype=jnp.int32)
    return {"teacher_feats": teacher_feats, "student_feats": student_feats,
            "ref_perm": ref_perm, "shared_perm": shared_perm}


def reference(teacher_feats, student_feats, ref_perm, shared_perm):
    tf = jax.lax.stop_gradient(teacher_feats)
    B = tf.shape[0]
    num_ref = int(ref_perm.shape[0])
    num_shared = int(shared_perm.shape[0])
    # sample reference patches in frame 0 (teacher detached, student trainable)
    ref_t = tf[:, 0][:, ref_perm, :]
    ref_s = student_feats[:, 0][:, ref_perm, :]
    # teacher-only extra frames form the retrieval key bank
    extra_t = jnp.concatenate([tf[:, e] for e in EXTRA_FRAMES], axis=1)  # [B, EP, D]
    # cosine similarity retrieval: queries [B, num_ref, D] x keys [B, EP, D]
    sim = jnp.einsum('bnd,bmd->bnm', _normalize(ref_t), _normalize(extra_t))
    _, topk_idx = jax.lax.top_k(sim, TOPK)  # [B, num_ref, K]
    sim_high = jnp.take_along_axis(extra_t[:, None, :, :], topk_idx[..., None], axis=2)  # [B, num_ref, K, D]
    sim_high = jax.lax.stop_gradient(sim_high)
    s1 = jnp.float32(0.0); s2 = jnp.float32(0.0); s3 = jnp.float32(0.0)
    total = 0
    for t_idx, s_idx in zip(SHARED_TEACHER, SHARED_STUDENT):
        sh_t = tf[:, t_idx][:, shared_perm, :]
        sh_s = student_feats[:, s_idx][:, shared_perm, :]
        st = sh_t[:, None, :, None, :]
        ss = sh_s[:, None, :, None, :]
        for r0 in range(0, num_ref, CS):
            r1 = min(r0 + CS, num_ref)
            rt = ref_t[:, r0:r1][:, :, None, None, :]
            rs = ref_s[:, r0:r1][:, :, None, None, :]
            sh = sim_high[:, r0:r1][:, :, None, :, :]
            a1_t = _cos_angle(st - rt, sh - rt)
            a1_s = _cos_angle(ss - rs, sh - rs)
            s1 = s1 + jnp.sum(jnp.abs(a1_s - jax.lax.stop_gradient(a1_t)))
            a2_t = _cos_angle(rt - sh, st - sh)
            a2_s = _cos_angle(rs - sh, ss - sh)
            s2 = s2 + jnp.sum(jnp.abs(a2_s - jax.lax.stop_gradient(a2_t)))
            a3_t = _cos_angle(rt - st, sh - st)
            a3_s = _cos_angle(rs - ss, sh - ss)
            s3 = s3 + jnp.sum(jnp.abs(a3_s - jax.lax.stop_gradient(a3_t)))
            total += B * (r1 - r0) * num_shared * TOPK
    loss = (W1 * s1 + W2 * s2 + W3 * s3) / total
    return loss

if __name__ == "__main__":
    import jax
    _d = setup_inputs()
    print(jax.jit(kernel)(*tuple(_d.values())))

</pallas_src>

<mosaic_0001>
#map = affine_map<(d0, d1) -> (0, 0)>
#map1 = affine_map<(d0, d1) -> (0)>
module attributes {stable_mosaic.version = 14 : i64} {
  func.func @gather(%arg0: i32, %arg1: i32, %arg2: memref<4096x256xf32, #tpu.memory_space<hbm>>, %arg3: memref<256xi32, #tpu.memory_space<hbm>>, %arg4: memref<256x256xf32, #tpu.memory_space<hbm>>, %arg5: memref<8xi32, #tpu.memory_space<vmem>>, %arg6: memref<8x256xf32, #tpu.memory_space<vmem>>, %arg7: memref<!tpu.dma_semaphore, #tpu.memory_space<semaphore_mem>>) attributes {dimension_semantics = [#tpu.dimension_semantics<core_parallel>, #tpu.dimension_semantics<subcore_parallel>], iteration_bounds = array<i64: 2, 16>, scalar_prefetch = 0 : i64, scratch_operands = 3 : i64, tpu.core_type = #tpu.core_type<sc_vector_subcore>, window_params = [{transform_indices = #map}, {transform_indices = #map1}, {transform_indices = #map}]} {
    %mul3A = arith.constant 2 : i32
    %mul3A_0 = arith.muli %arg1, %mul3A : i32
    %add3A = arith.addi %mul3A_0, %arg0 : i32
    %mul3A_1 = arith.constant 8 : i32
    %mul3A_2 = arith.muli %add3A, %mul3A_1 : i32
    "tpu.region"() ({
      %run_scoped3A = tpu.sem_alloc : memref<!tpu.dma_semaphore, #tpu.memory_space<semaphore_mem>>
      %dma_start3A_7 = tpu.memref_slice %arg3[%mul3A_2] : memref<256xi32, #tpu.memory_space<hbm>> -> memref<8xi32, #tpu.memory_space<hbm>>
      %dma_start3A_8 = tpu.memref_slice %arg3[%mul3A_2] : memref<256xi32, #tpu.memory_space<hbm>> -> memref<8xi32, #tpu.memory_space<hbm>>
      tpu.enqueue_dma source(%dma_start3A_8 : memref<8xi32, #tpu.memory_space<hbm>>) target(%arg5 : memref<8xi32, #tpu.memory_space<vmem>>) target_semaphore(%run_scoped3A : memref<!tpu.dma_semaphore, #tpu.memory_space<semaphore_mem>>)
      %dma_wait3A_9 = tpu.memref_slice %arg3[%mul3A_2] : memref<256xi32, #tpu.memory_space<hbm>> -> memref<8xi32, #tpu.memory_space<hbm>>
      %dma_wait3A_10 = tpu.memref_slice %arg3[%mul3A_2] : memref<256xi32, #tpu.memory_space<hbm>> -> memref<8xi32, #tpu.memory_space<hbm>>
      tpu.wait_dma2 semaphore(%run_scoped3A : memref<!tpu.dma_semaphore, #tpu.memory_space<semaphore_mem>>) src(%dma_wait3A_10 : memref<8xi32, #tpu.memory_space<hbm>>) dst(%arg5 : memref<8xi32, #tpu.memory_space<vmem>>)
      tpu.yield
    }) : () -> ()
    %dma_start3A = arith.constant 0 : i32
    %dma_start3A_3 = arith.constant 0 : i32
    %dma_start3A_4 = tpu.memref_slice %arg2[%dma_start3A, %dma_start3A_3] : memref<4096x256xf32, #tpu.memory_space<hbm>> -> memref<4096x256xf32, #tpu.memory_space<hbm>>
    tpu.enqueue_indirect_dma source(%dma_start3A_4 : memref<4096x256xf32, #tpu.memory_space<hbm>>) target(%arg6 : memref<8x256xf32, #tpu.memory_space<vmem>>) offsets(%arg5 : memref<8xi32, #tpu.memory_space<vmem>>) semaphore(%arg7 : memref<!tpu.dma_semaphore, #tpu.memory_space<semaphore_mem>>)
    %dma_wait3A = arith.constant 0 : i32
    %dma_wait3A_5 = arith.constant 0 : i32
    %dma_wait3A_6 = tpu.memref_slice %arg2[%dma_wait3A, %dma_wait3A_5] : memref<4096x256xf32, #tpu.memory_space<hbm>> -> memref<4096x256xf32, #tpu.memory_space<hbm>>
    tpu.wait_indirect_dma semaphore(%arg7 : memref<!tpu.dma_semaphore, #tpu.memory_space<semaphore_mem>>) src(%dma_wait3A_6 : memref<4096x256xf32, #tpu.memory_space<hbm>>) dst(%arg6 : memref<8x256xf32, #tpu.memory_space<vmem>>)
    "tpu.region"() ({
      %run_scoped3A = tpu.sem_alloc : memref<!tpu.dma_semaphore, #tpu.memory_space<semaphore_mem>>
      %dma_start3A_7 = arith.constant 0 : i32
      %dma_start3A_8 = tpu.memref_slice %arg4[%mul3A_2, %dma_start3A_7] : memref<256x256xf32, #tpu.memory_space<hbm>> -> memref<8x256xf32, #tpu.memory_space<hbm>>
      %dma_start3A_9 = arith.constant 0 : i32
      %dma_start3A_10 = tpu.memref_slice %arg4[%mul3A_2, %dma_start3A_9] : memref<256x256xf32, #tpu.memory_space<hbm>> -> memref<8x256xf32, #tpu.memory_space<hbm>>
      tpu.enqueue_dma source(%arg6 : memref<8x256xf32, #tpu.memory_space<vmem>>) target(%dma_start3A_10 : memref<8x256xf32, #tpu.memory_space<hbm>>) target_semaphore(%run_scoped3A : memref<!tpu.dma_semaphore, #tpu.memory_space<semaphore_mem>>)
      %dma_wait3A_11 = arith.constant 0 : i32
      %dma_wait3A_12 = tpu.memref_slice %arg4[%mul3A_2, %dma_wait3A_11] : memref<256x256xf32, #tpu.memory_space<hbm>> -> memref<8x256xf32, #tpu.memory_space<hbm>>
      %dma_wait3A_13 = arith.constant 0 : i32
      %dma_wait3A_14 = tpu.memref_slice %arg4[%mul3A_2, %dma_wait3A_13] : memref<256x256xf32, #tpu.memory_space<hbm>> -> memref<8x256xf32, #tpu.memory_space<hbm>>
      tpu.wait_dma2 semaphore(%run_scoped3A : memref<!tpu.dma_semaphore, #tpu.memory_space<semaphore_mem>>) src(%arg6 : memref<8x256xf32, #tpu.memory_space<vmem>>) dst(%dma_wait3A_14 : memref<8x256xf32, #tpu.memory_space<hbm>>)
      tpu.yield
    }) : () -> ()
    return
  }
}

module attributes {stable_mosaic.version = 14 : i64} {
  func.func @_stage_a(%arg0: memref<8192x192xf32, #tpu.memory_space<any>>, %arg1: memref<64x4xi32, #tpu.memory_space<vmem>>, %arg2: memref<4096x256xf32, #tpu.memory_space<vmem>>, %arg3: memref<8x512x192xf32, #tpu.memory_space<vmem>>, %arg4: memref<64x192xf32, #tpu.memory_space<vmem>>, %arg5: memref<9x!tpu.dma_semaphore, #tpu.memory_space<semaphore_mem>>) attributes {dimension_semantics = [], scalar_prefetch = 0 : i64, scratch_operands = 3 : i64, tpu.core_type = #tpu.core_type<tc>} {
    %dma_start3A = arith.constant 8 : i32
    %dma_start3A_0 = tpu.memref_slice %arg5[%dma_start3A] : memref<9x!tpu.dma_semaphore, #tpu.memory_space<semaphore_mem>> -> memref<1x!tpu.dma_semaphore, #tpu.memory_space<semaphore_mem>>
    %dma_start3A_1 = tpu.memref_squeeze %dma_start3A_0 : memref<1x!tpu.dma_semaphore, #tpu.memory_space<semaphore_mem>> -> memref<!tpu.dma_semaphore, #tpu.memory_space<semaphore_mem>>
    %dma_start3A_2 = arith.constant 0 : i32
    %dma_start3A_3 = arith.constant 0 : i32
    %dma_start3A_4 = tpu.memref_slice %arg0[%dma_start3A_2, %dma_start3A_3] : memref<8192x192xf32, #tpu.memory_space<any>> -> memref<64x192xf32, #tpu.memory_space<any>>
    tpu.enqueue_dma source(%dma_start3A_4 : memref<64x192xf32, #tpu.memory_space<any>>) target(%arg4 : memref<64x192xf32, #tpu.memory_space<vmem>>) target_semaphore(%dma_start3A_1 : memref<!tpu.dma_semaphore, #tpu.memory_space<semaphore_mem>>)
    %dma_start3A_5 = arith.constant 0 : i32
    %dma_start3A_6 = arith.constant 0 : i32
    %dma_start3A_7 = tpu.memref_slice %arg5[%dma_start3A_6] : memref<9x!tpu.dma_semaphore, #tpu.memory_space<semaphore_mem>> -> memref<1x!tpu.dma_semaphore, #tpu.memory_space<semaphore_mem>>
    %dma_start3A_8 = tpu.memref_squeeze %dma_start3A_7 : memref<1x!tpu.dma_semaphore, #tpu.memory_space<semaphore_mem>> -> memref<!tpu.dma_semaphore, #tpu.memory_space<semaphore_mem>>
    %dma_start3A_9 = arith.constant 0 : i32
    %dma_start3A_10 = arith.constant 0 : i32
    %dma_start3A_11 = tpu.memref_slice %arg3[%dma_start3A_5, %dma_start3A_9, %dma_start3A_10] : memref<8x512x192xf32, #tpu.memory_space<vmem>> -> memref<1x512x192xf32, #tpu.memory_space<vmem>>
    %dma_start3A_12 = tpu.memref_squeeze %dma_start3A_11 : memref<1x512x192xf32, #tpu.memory_space<vmem>> -> memref<512x192xf32, #tpu.memory_space<vmem>>
    %dma_start3A_13 = arith.constant 1024 : i32
    %dma_start3A_14 = arith.constant 0 : i32
    %dma_start3A_15 = tpu.memref_slice %arg0[%dma_start3A_13, %dma_start3A_14] : memref<8192x192xf32, #tpu.memory_space<any>> -> memref<512x192xf32, #tpu.memory_space<any>>
    tpu.enqueue_dma source(%dma_start3A_15 : memref<512x192xf32, #tpu.memory_space<any>>) target(%dma_start3A_12 : memref<512x192xf32, #tpu.memory_space<vmem>>) target_semaphore(%dma_start3A_8 : memref<!tpu.dma_semaphore, #tpu.memory_space<semaphore_mem>>)
    %dma_start3A_16 = arith.constant 1 : i32
    %dma_start3A_17 = arith.constant 1 : i32
    %dma_start3A_18 = tpu.memref_slice %arg5[%dma_start3A_17] : memref<9x!tpu.dma_semaphore, #tpu.memory_space<semaphore_mem>> -> memref<1x!tpu.dma_semaphore, #tpu.memory_space<semaphore_mem>>
    %dma_start3A_19 = tpu.memref_squeeze %dma_start3A_18 : memref<1x!tpu.dma_semaphore, #tpu.memory_space<semaphore_mem>> -> memref<!tpu.dma_semaphore, #tpu.memory_space<semaphore_mem>>
    %dma_start3A_20 = arith.constant 0 : i32
    %dma_start3A_21 = arith.constant 0 : i32
    %dma_start3A_22 = tpu.memref_slice %arg3[%dma_start3A_16, %dma_start3A_20, %dma_start3A_21] : memref<8x512x192xf32, #tpu.memory_space<vmem>> -> memref<1x512x192xf32, #tpu.memory_space<vmem>>
    %dma_start3A_23 = tpu.memref_squeeze %dma_start3A_22 : memref<1x512x192xf32, #tpu.memory_space<vmem>> -> memref<512x192xf32, #tpu.memory_space<vmem>>
    %dma_start3A_24 = arith.constant 1536 : i32
    %dma_start3A_25 = arith.constant 0 : i32
    %dma_start3A_26 = tpu.memref_slice %arg0[%dma_start3A_24, %dma_start3A_25] : memref<8192x192xf32, #tpu.memory_space<any>> -> memref<512x192xf32, #tpu.memory_space<any>>
    tpu.enqueue_dma source(%dma_start3A_26 : memref<512x192xf32, #tpu.memory_space<any>>) target(%dma_start3A_23 : memref<512x192xf32, #tpu.memory_space<vmem>>) target_semaphore(%dma_start3A_19 : memref<!tpu.dma_semaphore, #tpu.memory_space<semaphore_mem>>)
    %dma_start3A_27 = arith.constant 2 : i32
    %dma_start3A_28 = arith.constant 2 : i32
    %dma_start3A_29 = tpu.memref_slice %arg5[%dma_start3A_28] : memref<9x!tpu.dma_semaphore, #tpu.memory_space<semaphore_mem>> -> memref<1x!tpu.dma_semaphore, #tpu.memory_space<semaphore_mem>>
    %dma_start3A_30 = tpu.memref_squeeze %dma_start3A_29 : memref<1x!tpu.dma_semaphore, #tpu.memory_space<semaphore_mem>> -> memref<!tpu.dma_semaphore, #tpu.memory_space<semaphore_mem>>
    %dma_start3A_31 = arith.constant 0 : i32
    %dma_start3A_32 = arith.constant 0 : i32
    %dma_start3A_33 = tpu.memref_slice %arg3[%dma_start3A_27, %dma_start3A_31, %dma_start3A_32] : memref<8x512x192xf32, #tpu.memory_space<vmem>> -> memref<1x512x192xf32, #tpu.memory_space<vmem>>
    %dma_start3A_34 = tpu.memref_squeeze %dma_start3A_33 : memref<1x512x192xf32, #tpu.memory_space<vmem>> -> memref<512x192xf32, #tpu.memory_space<vmem>>
    %dma_start3A_35 = arith.constant 3072 : i32
    %dma_start3A_36 = arith.constant 0 : i32
    %dma_start3A_37 = tpu.memref_slice %arg0[%dma_start3A_35, %dma_start3A_36] : memref<8192x192xf32, #tpu.memory_space<any>> -> memref<512x192xf32, #tpu.memory_space<any>>
    tpu.enqueue_dma source(%dma_start3A_37 : memref<512x192xf32, #tpu.memory_space<any>>) target(%dma_start3A_34 : memref<512x192xf32, #tpu.memory_space<vmem>>) target_semaphore(%dma_start3A_30 : memref<!tpu.dma_semaphore, #tpu.memory_space<semaphore_mem>>)
    %dma_start3A_38 = arith.constant 3 : i32
    %dma_start3A_39 = arith.constant 3 : i32
    %dma_start3A_40 = tpu.memref_slice %arg5[%dma_start3A_39] : memref<9x!tpu.dma_semaphore, #tpu.memory_space<semaphore_mem>> -> memref<1x!tpu.dma_semaphore, #tpu.memory_space<semaphore_mem>>
    %dma_start3A_41 = tpu.memref_squeeze %dma_start3A_40 : memref<1x!tpu.dma_semaphore, #tpu.memory_space<semaphore_mem>> -> memref<!tpu.dma_semaphore, #tpu.memory_space<semaphore_mem>>
    %dma_start3A_42 = arith.constant 0 : i32
    %dma_start3A_43 = arith.constant 0 : i32
    %dma_start3A_44 = tpu.memref_slice %arg3[%dma_start3A_38, %dma_start3A_42, %dma_start3A_43] : memref<8x512x192xf32, #tpu.memory_space<vmem>> -> memref<1x512x192xf32, #tpu.memory_space<vmem>>
    %dma_start3A_45 = tpu.memref_squeeze %dma_start3A_44 : memref<1x512x192xf32, #tpu.memory_space<vmem>> -> memref<512x192xf32, #tpu.memory_space<vmem>>
    %dma_start3A_46 = arith.constant 3584 : i32
    %dma_start3A_47 = arith.constant 0 : i32
    %dma_start3A_48 = tpu.memref_slice %arg0[%dma_start3A_46, %dma_start3A_47] : memref<8192x192xf32, #tpu.memory_space<any>> -> memref<512x192xf32, #tpu.memory_space<any>>
    tpu.enqueue_dma source(%dma_start3A_48 : memref<512x192xf32, #tpu.memory_space<any>>) target(%dma_start3A_45 : memref<512x192xf32, #tpu.memory_space<vmem>>) target_semaphore(%dma_start3A_41 : memref<!tpu.dma_semaphore, #tpu.memory_space<semaphore_mem>>)
    %dma_start3A_49 = arith.constant 4 : i32
    %dma_start3A_50 = arith.constant 4 : i32
    %dma_start3A_51 = tpu.memref_slice %arg5[%dma_start3A_50] : memref<9x!tpu.dma_semaphore, #tpu.memory_space<semaphore_mem>> -> memref<1x!tpu.dma_semaphore, #tpu.memory_space<semaphore_mem>>
    %dma_start3A_52 = tpu.memref_squeeze %dma_start3A_51 : memref<1x!tpu.dma_semaphore, #tpu.memory_space<semaphore_mem>> -> memref<!tpu.dma_semaphore, #tpu.memory_space<semaphore_mem>>
    %dma_start3A_53 = arith.constant 0 : i32
    %dma_start3A_54 = arith.constant 0 : i32
    %dma_start3A_55 = tpu.memref_slice %arg3[%dma_start3A_49, %dma_start3A_53, %dma_start3A_54] : memref<8x512x192xf32, #tpu.memory_space<vmem>> -> memref<1x512x192xf32, #tpu.memory_space<vmem>>
    %dma_start3A_56 = tpu.memref_squeeze %dma_start3A_55 : memref<1x512x192xf32, #tpu.memory_space<vmem>> -> memref<512x192xf32, #tpu.memory_space<vmem>>
    %dma_start3A_57 = arith.constant 5120 : i32
    %dma_start3A_58 = arith.constant 0 : i32
    %dma_start3A_59 = tpu.memref_slice %arg0[%dma_start3A_57, %dma_start3A_58] : memref<8192x192xf32, #tpu.memory_space<any>> -> memref<512x192xf32, #tpu.memory_space<any>>
    tpu.enqueue_dma source(%dma_start3A_59 : memref<512x192xf32, #tpu.memory_space<any>>) target(%dma_start3A_56 : memref<512x192xf32, #tpu.memory_space<vmem>>) target_semaphore(%dma_start3A_52 : memref<!tpu.dma_semaphore, #tpu.memory_space<semaphore_mem>>)
    %dma_start3A_60 = arith.constant 5 : i32
    %dma_start3A_61 = arith.constant 5 : i32
    %dma_start3A_62 = tpu.memref_slice %arg5[%dma_start3A_61] : memref<9x!tpu.dma_semaphore, #tpu.memory_space<semaphore_mem>> -> memref<1x!tpu.dma_semaphore, #tpu.memory_space<semaphore_mem>>
    %dma_start3A_63 = tpu.memref_squeeze %dma_start3A_62 : memref<1x!tpu.dma_semaphore, #tpu.memory_space<semaphore_mem>> -> memref<!tpu.dma_semaphore, #tpu.memory_space<semaphore_mem>>
    %dma_start3A_64 = arith.constant 0 : i32
    %dma_start3A_65 = arith.constant 0 : i32
    %dma_start3A_66 = tpu.memref_slice %arg3[%dma_start3A_60, %dma_start3A_64, %dma_start3A_65] : memref<8x512x192xf32, #tpu.memory_space<vmem>> -> memref<1x512x192xf32, #tpu.memory_space<vmem>>
    %dma_start3A_67 = tpu.memref_squeeze %dma_start3A_66 : memref<1x512x192xf32, #tpu.memory_space<vmem>> -> memref<512x192xf32, #tpu.memory_space<vmem>>
    %dma_start3A_68 = arith.constant 5632 : i32
    %dma_start3A_69 = arith.constant 0 : i32
    %dma_start3A_70 = tpu.memref_slice %arg0[%dma_start3A_68, %dma_start3A_69] : memref<8192x192xf32, #tpu.memory_space<any>> -> memref<512x192xf32, #tpu.memory_space<any>>
    tpu.enqueue_dma source(%dma_start3A_70 : memref<512x192xf32, #tpu.memory_space<any>>) target(%dma_start3A_67 : memref<512x192xf32, #tpu.memory_space<vmem>>) target_semaphore(%dma_start3A_63 : memref<!tpu.dma_semaphore, #tpu.memory_space<semaphore_mem>>)
    %dma_start3A_71 = arith.constant 6 : i32
    %dma_start3A_72 = arith.constant 6 : i32
    %dma_start3A_73 = tpu.memref_slice %arg5[%dma_start3A_72] : memref<9x!tpu.dma_semaphore, #tpu.memory_space<semaphore_mem>> -> memref<1x!tpu.dma_semaphore, #tpu.memory_space<semaphore_mem>>
    %dma_start3A_74 = tpu.memref_squeeze %dma_start3A_73 : memref<1x!tpu.dma_semaphore, #tpu.memory_space<semaphore_mem>> -> memref<!tpu.dma_semaphore, #tpu.memory_space<semaphore_mem>>
    %dma_start3A_75 = arith.constant 0 : i32
    %dma_start3A_76 = arith.constant 0 : i32
    %dma_start3A_77 = tpu.memref_slice %arg3[%dma_start3A_71, %dma_start3A_75, %dma_start3A_76] : memref<8x512x192xf32, #tpu.memory_space<vmem>> -> memref<1x512x192xf32, #tpu.memory_space<vmem>>
    %dma_start3A_78 = tpu.memref_squeeze %dma_start3A_77 : memref<1x512x192xf32, #tpu.memory_space<vmem>> -> memref<512x192xf32, #tpu.memory_space<vmem>>
    %dma_start3A_79 = arith.constant 7168 : i32
    %dma_start3A_80 = arith.constant 0 : i32
    %dma_start3A_81 = tpu.memref_slice %arg0[%dma_start3A_79, %dma_start3A_80] : memref<8192x192xf32, #tpu.memory_space<any>> -> memref<512x192xf32, #tpu.memory_space<any>>
    tpu.enqueue_dma source(%dma_start3A_81 : memref<512x192xf32, #tpu.memory_space<any>>) target(%dma_start3A_78 : memref<512x192xf32, #tpu.memory_space<vmem>>) target_semaphore(%dma_start3A_74 : memref<!tpu.dma_semaphore, #tpu.memory_space<semaphore_mem>>)
    %dma_start3A_82 = arith.constant 7 : i32
    %dma_start3A_83 = arith.constant 7 : i32
    %dma_start3A_84 = tpu.memref_slice %arg5[%dma_start3A_83] : memref<9x!tpu.dma_semaphore, #tpu.memory_space<semaphore_mem>> -> memref<1x!tpu.dma_semaphore, #tpu.memory_space<semaphore_mem>>
    %dma_start3A_85 = tpu.memref_squeeze %dma_start3A_84 : memref<1x!tpu.dma_semaphore, #tpu.memory_space<semaphore_mem>> -> memref<!tpu.dma_semaphore, #tpu.memory_space<semaphore_mem>>
    %dma_start3A_86 = arith.constant 0 : i32
    %dma_start3A_87 = arith.constant 0 : i32
    %dma_start3A_88 = tpu.memref_slice %arg3[%dma_start3A_82, %dma_start3A_86, %dma_start3A_87] : memref<8x512x192xf32, #tpu.memory_space<vmem>> -> memref<1x512x192xf32, #tpu.memory_space<vmem>>
    %dma_start3A_89 = tpu.memref_squeeze %dma_start3A_88 : memref<1x512x192xf32, #tpu.memory_space<vmem>> -> memref<512x192xf32, #tpu.memory_space<vmem>>
    %dma_start3A_90 = arith.constant 7680 : i32
    %dma_start3A_91 = arith.constant 0 : i32
    %dma_start3A_92 = tpu.memref_slice %arg0[%dma_start3A_90, %dma_start3A_91] : memref<8192x192xf32, #tpu.memory_space<any>> -> memref<512x192xf32, #tpu.memory_space<any>>
    tpu.enqueue_dma source(%dma_start3A_92 : memref<512x192xf32, #tpu.memory_space<any>>) target(%dma_start3A_89 : memref<512x192xf32, #tpu.memory_space<vmem>>) target_semaphore(%dma_start3A_85 : memref<!tpu.dma_semaphore, #tpu.memory_space<semaphore_mem>>)
    %dma_wait3A = arith.constant 8 : i32
    %dma_wait3A_93 = tpu.memref_slice %arg5[%dma_wait3A] : memref<9x!tpu.dma_semaphore, #tpu.memory_space<semaphore_mem>> -> memref<1x!tpu.dma_semaphore, #tpu.memory_space<semaphore_mem>>
    %dma_wait3A_94 = tpu.memref_squeeze %dma_wait3A_93 : memref<1x!tpu.dma_semaphore, #tpu.memory_space<semaphore_mem>> -> memref<!tpu.dma_semaphore, #tpu.memory_space<semaphore_mem>>
    %dma_wait3A_95 = arith.constant 0 : i32
    %dma_wait3A_96 = arith.constant 0 : i32
    %dma_wait3A_97 = tpu.memref_slice %arg0[%dma_wait3A_95, %dma_wait3A_96] : memref<8192x192xf32, #tpu.memory_space<any>> -> memref<64x192xf32, #tpu.memory_space<any>>
    tpu.wait_dma2 semaphore(%dma_wait3A_94 : memref<!tpu.dma_semaphore, #tpu.memory_space<semaphore_mem>>) src(%dma_wait3A_97 : memref<64x192xf32, #tpu.memory_space<any>>) dst(%arg4 : memref<64x192xf32, #tpu.memory_space<vmem>>)
    %get3A = arith.constant 0 : index
    %get3A_98 = arith.constant 0 : index
    %get3A_99 = vector.load %arg4[%get3A, %get3A_98] : memref<64x192xf32, #tpu.memory_space<vmem>>, vector<64x192xf32>
    %mul3A = arith.mulf %get3A_99, %get3A_99 : vector<64x192xf32>
    %reduce_sum3A = arith.constant dense<0.000000e+00> : vector<64xf32>
    %reduce_sum3A_100 = vector.multi_reduction <add>, %mul3A, %reduce_sum3A [1] : vector<64x192xf32> to vector<64xf32>
    %broadcast_in_dim3A = vector.shape_cast %reduce_sum3A_100 : vector<64xf32> to vector<64x1xf32>
    %sqrt3A = math.sqrt %broadcast_in_dim3A : vector<64x1xf32>
    %max3A = arith.constant 9.99999993E-9 : f32
    %max3A_101 = vector.broadcast %max3A : f32 to vector<64x1xf32>
    %max3A_102 = arith.maximumf %sqrt3A, %max3A_101 : vector<64x1xf32>
    %div3A = arith.constant 1.000000e+00 : f32
    %div3A_103 = vector.broadcast %div3A : f32 to vector<64x1xf32>
    %div3A_104 = arith.divf %div3A_103, %max3A_102 : vector<64x1xf32>
    %mul3A_105 = vector.broadcast %div3A_104 : vector<64x1xf32> to vector<64x192xf32>
    %mul3A_106 = arith.mulf %get3A_99, %mul3A_105 : vector<64x192xf32>
    %broadcast_in_dim3A_107 = arith.constant 0.000000e+00 : f32
    %broadcast_in_dim3A_108 = vector.broadcast %broadcast_in_dim3A_107 : f32 to vector<512x64xf32>
    %dma_wait3A_109 = arith.constant 0 : i32
    %dma_wait3A_110 = arith.constant 0 : i32
    %dma_wait3A_111 = tpu.memref_slice %arg5[%dma_wait3A_110] : memref<9x!tpu.dma_semaphore, #tpu.memory_space<semaphore_mem>> -> memref<1x!tpu.dma_semaphore, #tpu.memory_space<semaphore_mem>>
    %dma_wait3A_112 = tpu.memref_squeeze %dma_wait3A_111 : memref<1x!tpu.dma_semaphore, #tpu.memory_space<semaphore_mem>> -> memref<!tpu.dma_semaphore, #tpu.memory_space<semaphore_mem>>
    %dma_wait3A_113 = arith.constant 0 : i32
    %dma_wait3A_114 = arith.constant 0 : i32
    %dma_wait3A_115 = tpu.memref_slice %arg3[%dma_wait3A_109, %dma_wait3A_113, %dma_wait3A_114] : memref<8x512x192xf32, #tpu.memory_space<vmem>> -> memref<1x512x192xf32, #tpu.memory_space<vmem>>
    %dma_wait3A_116 = tpu.memref_squeeze %dma_wait3A_115 : memref<1x512x192xf32, #tpu.memory_space<vmem>> -> memref<512x192xf32, #tpu.memory_space<vmem>>
    %dma_wait3A_117 = arith.constant 1024 : i32
    %dma_wait3A_118 = arith.constant 0 : i32
    %dma_wait3A_119 = tpu.memref_slice %arg0[%dma_wait3A_117, %dma_wait3A_118] : memref<8192x192xf32, #tpu.memory_space<any>> -> memref<512x192xf32, #tpu.memory_space<any>>
    tpu.wait_dma2 semaphore(%dma_wait3A_112 : memref<!tpu.dma_semaphore, #tpu.memory_space<semaphore_mem>>) src(%dma_wait3A_119 : memref<512x192xf32, #tpu.memory_space<any>>) dst(%dma_wait3A_116 : memref<512x192xf32, #tpu.memory_space<vmem>>)
    %get3A_120 = arith.constant 0 : index
    %get3A_121 = arith.constant 0 : index
    %get3A_122 = arith.constant 0 : index
    %get3A_123 = vector.load %arg3[%get3A_120, %get3A_121, %get3A_122] : memref<8x512x192xf32, #tpu.memory_space<vmem>>, vector<1x512x192xf32>
    %get3A_124 = vector.shape_cast %get3A_123 : vector<1x512x192xf32> to vector<512x192xf32>
    %concatenate3A = tpu.concatenate %get3A_124, %broadcast_in_dim3A_108 in 1 : vector<512x192xf32>, vector<512x64xf32> -> vector<512x256xf32>
    %swap3A = arith.constant 0 : index
    %swap3A_125 = arith.constant 0 : index
    %swap3A_126 = vector.load %arg2[%swap3A, %swap3A_125] : memref<4096x256xf32, #tpu.memory_space<vmem>>, vector<512x256xf32>
    tpu.vector_store %arg2[%swap3A, %swap3A_125], %concatenate3A {strides = array<i32>} : memref<4096x256xf32, #tpu.memory_space<vmem>>, vector<512x256xf32>,
    %mul3A_127 = arith.mulf %get3A_124, %get3A_124 : vector<512x192xf32>
    %reduce_sum3A_128 = arith.constant dense<0.000000e+00> : vector<512xf32>
    %reduce_sum3A_129 = vector.multi_reduction <add>, %mul3A_127, %reduce_sum3A_128 [1] : vector<512x192xf32> to vector<512xf32>
    %broadcast_in_dim3A_130 = vector.shape_cast %reduce_sum3A_129 : vector<512xf32> to vector<512x1xf32>
    %sqrt3A_131 = math.sqrt %broadcast_in_dim3A_130 : vector<512x1xf32>
    %max3A_132 = arith.constant 9.99999993E-9 : f32
    %max3A_133 = vector.broadcast %max3A_132 : f32 to vector<512x1xf32>
    %max3A_134 = arith.maximumf %sqrt3A_131, %max3A_133 : vector<512x1xf32>
    %div3A_135 = arith.constant 1.000000e+00 : f32
    %div3A_136 = vector.broadcast %div3A_135 : f32 to vector<512x1xf32>
    %div3A_137 = arith.divf %div3A_136, %max3A_134 : vector<512x1xf32>
    %mul3A_138 = vector.broadcast %div3A_137 : vector<512x1xf32> to vector<512x192xf32>
    %mul3A_139 = arith.mulf %get3A_124, %mul3A_138 : vector<512x192xf32>
    %dot_general3A = arith.constant dense<0.000000e+00> : vector<64x512xf32>
    %dot_general3A_140 = tpu.matmul %mul3A_106, %mul3A_139, %dot_general3A {dimension_numbers = #tpu.dot_dimension_numbers<[1], [1], [0], [0], [0, 0, 1, 0], [], []>, transpose_lhs_hint = false} : vector<64x192xf32>, vector<512x192xf32>, vector<64x512xf32> -> vector<64x512xf32>
    %dma_wait3A_141 = arith.constant 1 : i32
    %dma_wait3A_142 = arith.constant 1 : i32
    %dma_wait3A_143 = tpu.memref_slice %arg5[%dma_wait3A_142] : memref<9x!tpu.dma_semaphore, #tpu.memory_space<semaphore_mem>> -> memref<1x!tpu.dma_semaphore, #tpu.memory_space<semaphore_mem>>
    %dma_wait3A_144 = tpu.memref_squeeze %dma_wait3A_143 : memref<1x!tpu.dma_semaphore, #tpu.memory_space<semaphore_mem>> -> memref<!tpu.dma_semaphore, #tpu.memory_space<semaphore_mem>>
    %dma_wait3A_145 = arith.constant 0 : i32
    %dma_wait3A_146 = arith.constant 0 : i32
    %dma_wait3A_147 = tpu.memref_slice %arg3[%dma_wait3A_141, %dma_wait3A_145, %dma_wait3A_146] : memref<8x512x192xf32, #tpu.memory_space<vmem>> -> memref<1x512x192xf32, #tpu.memory_space<vmem>>
    %dma_wait3A_148 = tpu.memref_squeeze %dma_wait3A_147 : memref<1x512x192xf32, #tpu.memory_space<vmem>> -> memref<512x192xf32, #tpu.memory_space<vmem>>
    %dma_wait3A_149 = arith.constant 1536 : i32
    %dma_wait3A_150 = arith.constant 0 : i32
    %dma_wait3A_151 = tpu.memref_slice %arg0[%dma_wait3A_149, %dma_wait3A_150] : memref<8192x192xf32, #tpu.memory_space<any>> -> memref<512x192xf32, #tpu.memory_space<any>>
    tpu.wait_dma2 semaphore(%dma_wait3A_144 : memref<!tpu.dma_semaphore, #tpu.memory_space<semaphore_mem>>) src(%dma_wait3A_151 : memref<512x192xf32, #tpu.memory_space<any>>) dst(%dma_wait3A_148 : memref<512x192xf32, #tpu.memory_space<vmem>>)
    %get3A_152 = arith.constant 1 : index
    %get3A_153 = arith.constant 0 : index
    %get3A_154 = arith.constant 0 : index
    %get3A_155 = vector.load %arg3[%get3A_152, %get3A_153, %get3A_154] : memref<8x512x192xf32, #tpu.memory_space<vmem>>, vector<1x512x192xf32>
    %get3A_156 = vector.shape_cast %get3A_155 : vector<1x512x192xf32> to vector<512x192xf32>
    %concatenate3A_157 = tpu.concatenate %get3A_156, %broadcast_in_dim3A_108 in 1 : vector<512x192xf32>, vector<512x64xf32> -> vector<512x256xf32>
    %swap3A_158 = arith.constant 512 : index
    %swap3A_159 = arith.constant 0 : index
    %swap3A_160 = vector.load %arg2[%swap3A_158, %swap3A_159] : memref<4096x256xf32, #tpu.memory_space<vmem>>, vector<512x256xf32>
    tpu.vector_store %arg2[%swap3A_158, %swap3A_159], %concatenate3A_157 {strides = array<i32>} : memref<4096x256xf32, #tpu.memory_space<vmem>>, vector<512x256xf32>,
    %mul3A_161 = arith.mulf %get3A_156, %get3A_156 : vector<512x192xf32>
    %reduce_sum3A_162 = arith.constant dense<0.000000e+00> : vector<512xf32>
    %reduce_sum3A_163 = vector.multi_reduction <add>, %mul3A_161, %reduce_sum3A_162 [1] : vector<512x192xf32> to vector<512xf32>
    %broadcast_in_dim3A_164 = vector.shape_cast %reduce_sum3A_163 : vector<512xf32> to vector<512x1xf32>
    %sqrt3A_165 = math.sqrt %broadcast_in_dim3A_164 : vector<512x1xf32>
    %max3A_166 = arith.constant 9.99999993E-9 : f32
    %max3A_167 = vector.broadcast %max3A_166 : f32 to vector<512x1xf32>
    %max3A_168 = arith.maximumf %sqrt3A_165, %max3A_167 : vector<512x1xf32>
    %div3A_169 = arith.constant 1.000000e+00 : f32
    %div3A_170 = vector.broadcast %div3A_169 : f32 to vector<512x1xf32>
    %div3A_171 = arith.divf %div3A_170, %max3A_168 : vector<512x1xf32>
    %mul3A_172 = vector.broadcast %div3A_171 : vector<512x1xf32> to vector<512x192xf32>
    %mul3A_173 = arith.mulf %get3A_156, %mul3A_172 : vector<512x192xf32>
    %dot_general3A_174 = arith.constant dense<0.000000e+00> : vector<64x512xf32>
    %dot_general3A_175 = tpu.matmul %mul3A_106, %mul3A_173, %dot_general3A_174 {dimension_numbers = #tpu.dot_dimension_numbers<[1], [1], [0], [0], [0, 0, 1, 0], [], []>, transpose_lhs_hint = false} : vector<64x192xf32>, vector<512x192xf32>, vector<64x512xf32> -> vector<64x512xf32>
    %dma_wait3A_176 = arith.constant 2 : i32
    %dma_wait3A_177 = arith.constant 2 : i32
    %dma_wait3A_178 = tpu.memref_slice %arg5[%dma_wait3A_177] : memref<9x!tpu.dma_semaphore, #tpu.memory_space<semaphore_mem>> -> memref<1x!tpu.dma_semaphore, #tpu.memory_space<semaphore_mem>>
    %dma_wait3A_179 = tpu.memref_squeeze %dma_wait3A_178 : memref<1x!tpu.dma_semaphore, #tpu.memory_space<semaphore_mem>> -> memref<!tpu.dma_semaphore, #tpu.memory_space<semaphore_mem>>
    %dma_wait3A_180 = arith.constant 0 : i32
    %dma_wait3A_181 = arith.constant 0 : i32
    %dma_wait3A_182 = tpu.memref_slice %arg3[%dma_wait3A_176, %dma_wait3A_180, %dma_wait3A_181] : memref<8x512x192xf32, #tpu.memory_space<vmem>> -> memref<1x512x192xf32, #tpu.memory_space<vmem>>
    %dma_wait3A_183 = tpu.memref_squeeze %dma_wait3A_182 : memref<1x512x192xf32, #tpu.memory_space<vmem>> -> memref<512x192xf32, #tpu.memory_space<vmem>>
    %dma_wait3A_184 = arith.constant 3072 : i32
    %dma_wait3A_185 = arith.constant 0 : i32
    %dma_wait3A_186 = tpu.memref_slice %arg0[%dma_wait3A_184, %dma_wait3A_185] : memref<8192x192xf32, #tpu.memory_space<any>> -> memref<512x192xf32, #tpu.memory_space<any>>
    tpu.wait_dma2 semaphore(%dma_wait3A_179 : memref<!tpu.dma_semaphore, #tpu.memory_space<semaphore_mem>>) src(%dma_wait3A_186 : memref<512x192xf32, #tpu.memory_space<any>>) dst(%dma_wait3A_183 : memref<512x192xf32, #tpu.memory_space<vmem>>)
    %get3A_187 = arith.constant 2 : index
    %get3A_188 = arith.constant 0 : index
    %get3A_189 = arith.constant 0 : index
    %get3A_190 = vector.load %arg3[%get3A_187, %get3A_188, %get3A_189] : memref<8x512x192xf32, #tpu.memory_space<vmem>>, vector<1x512x192xf32>
    %get3A_191 = vector.shape_cast %get3A_190 : vector<1x512x192xf32> to vector<512x192xf32>
    %concatenate3A_192 = tpu.concatenate %get3A_191, %broadcast_in_dim3A_108 in 1 : vector<512x192xf32>, vector<512x64xf32> -> vector<512x256xf32>
    %swap3A_193 = arith.constant 1024 : index
    %swap3A_194 = arith.constant 0 : index
    %swap3A_195 = vector.load %arg2[%swap3A_193, %swap3A_194] : memref<4096x256xf32, #tpu.memory_space<vmem>>, vector<512x256xf32>
    tpu.vector_store %arg2[%swap3A_193, %swap3A_194], %concatenate3A_192 {strides = array<i32>} : memref<4096x256xf32, #tpu.memory_space<vmem>>, vector<512x256xf32>,
    %mul3A_196 = arith.mulf %get3A_191, %get3A_191 : vector<512x192xf32>
    %reduce_sum3A_197 = arith.constant dense<0.000000e+00> : vector<512xf32>
    %reduce_sum3A_198 = vector.multi_reduction <add>, %mul3A_196, %reduce_sum3A_197 [1] : vector<512x192xf32> to vector<512xf32>
    %broadcast_in_dim3A_199 = vector.shape_cast %reduce_sum3A_198 : vector<512xf32> to vector<512x1xf32>
    %sqrt3A_200 = math.sqrt %broadcast_in_dim3A_199 : vector<512x1xf32>
    %max3A_201 = arith.constant 9.99999993E-9 : f32
    %max3A_202 = vector.broadcast %max3A_201 : f32 to vector<512x1xf32>
    %max3A_203 = arith.maximumf %sqrt3A_200, %max3A_202 : vector<512x1xf32>
    %div3A_204 = arith.constant 1.000000e+00 : f32
    %div3A_205 = vector.broadcast %div3A_204 : f32 to vector<512x1xf32>
    %div3A_206 = arith.divf %div3A_205, %max3A_203 : vector<512x1xf32>
    %mul3A_207 = vector.broadcast %div3A_206 : vector<512x1xf32> to vector<512x192xf32>
    %mul3A_208 = arith.mulf %get3A_191, %mul3A_207 : vector<512x192xf32>
    %dot_general3A_209 = arith.constant dense<0.000000e+00> : vector<64x512xf32>
    %dot_general3A_210 = tpu.matmul %mul3A_106, %mul3A_208, %dot_general3A_209 {dimension_numbers = #tpu.dot_dimension_numbers<[1], [1], [0], [0], [0, 0, 1, 0], [], []>, transpose_lhs_hint = false} : vector<64x192xf32>, vector<512x192xf32>, vector<64x512xf32> -> vector<64x512xf32>
    %dma_wait3A_211 = arith.constant 3 : i32
    %dma_wait3A_212 = arith.constant 3 : i32
    %dma_wait3A_213 = tpu.memref_slice %arg5[%dma_wait3A_212] : memref<9x!tpu.dma_semaphore, #tpu.memory_space<semaphore_mem>> -> memref<1x!tpu.dma_semaphore, #tpu.memory_space<semaphore_mem>>
    %dma_wait3A_214 = tpu.memref_squeeze %dma_wait3A_213 : memref<1x!tpu.dma_semaphore, #tpu.memory_space<semaphore_mem>> -> memref<!tpu.dma_semaphore, #tpu.memory_space<semaphore_mem>>
    %dma_wait3A_215 = arith.constant 0 : i32
    %dma_wait3A_216 = arith.constant 0 : i32
    %dma_wait3A_217 = tpu.memref_slice %arg3[%dma_wait3A_211, %dma_wait3A_215, %dma_wait3A_216] : memref<8x512x192xf32, #tpu.memory_space<vmem>> -> memref<1x512x192xf32, #tpu.memory_space<vmem>>
    %dma_wait3A_218 = tpu.memref_squeeze %dma_wait3A_217 : memref<1x512x192xf32, #tpu.memory_space<vmem>> -> memref<512x192xf32, #tpu.memory_space<vmem>>
    %dma_wait3A_219 = arith.constant 3584 : i32
    %dma_wait3A_220 = arith.constant 0 : i32
    %dma_wait3A_221 = tpu.memref_slice %arg0[%dma_wait3A_219, %dma_wait3A_220] : memref<8192x192xf32, #tpu.memory_space<any>> -> memref<512x192xf32, #tpu.memory_space<any>>
    tpu.wait_dma2 semaphore(%dma_wait3A_214 : memref<!tpu.dma_semaphore, #tpu.memory_space<semaphore_mem>>) src(%dma_wait3A_221 : memref<512x192xf32, #tpu.memory_space<any>>) dst(%dma_wait3A_218 : memref<512x192xf32, #tpu.memory_space<vmem>>)
    %get3A_222 = arith.constant 3 : index
    %get3A_223 = arith.constant 0 : index
    %get3A_224 = arith.constant 0 : index
    %get3A_225 = vector.load %arg3[%get3A_222, %get3A_223, %get3A_224] : memref<8x512x192xf32, #tpu.memory_space<vmem>>, vector<1x512x192xf32>
    %get3A_226 = vector.shape_cast %get3A_225 : vector<1x512x192xf32> to vector<512x192xf32>
    %concatenate3A_227 = tpu.concatenate %get3A_226, %broadcast_in_dim3A_108 in 1 : vector<512x192xf32>, vector<512x64xf32> -> vector<512x256xf32>
    %swap3A_228 = arith.constant 1536 : index
    %swap3A_229 = arith.constant 0 : index
    %swap3A_230 = vector.load %arg2[%swap3A_228, %swap3A_229] : memref<4096x256xf32, #tpu.memory_space<vmem>>, vector<512x256xf32>
    tpu.vector_store %arg2[%swap3A_228, %swap3A_229], %concatenate3A_227 {strides = array<i32>} : memref<4096x256xf32, #tpu.memory_space<vmem>>, vector<512x256xf32>,
    %mul3A_231 = arith.mulf %get3A_226, %get3A_226 : vector<512x192xf32>
    %reduce_sum3A_232 = arith.constant dense<0.000000e+00> : vector<512xf32>
    %reduce_sum3A_233 = vector.multi_reduction <add>, %mul3A_231, %reduce_sum3A_232 [1] : vector<512x192xf32> to vector<512xf32>
    %broadcast_in_dim3A_234 = vector.shape_cast %reduce_sum3A_233 : vector<512xf32> to vector<512x1xf32>
    %sqrt3A_235 = math.sqrt %broadcast_in_dim3A_234 : vector<512x1xf32>
    %max3A_236 = arith.constant 9.99999993E-9 : f32
    %max3A_237 = vector.broadcast %max3A_236 : f32 to vector<512x1xf32>
    %max3A_238 = arith.maximumf %sqrt3A_235, %max3A_237 : vector<512x1xf32>
    %div3A_239 = arith.constant 1.000000e+00 : f32
    %div3A_240 = vector.broadcast %div3A_239 : f32 to vector<512x1xf32>
    %div3A_241 = arith.divf %div3A_240, %max3A_238 : vector<512x1xf32>
    %mul3A_242 = vector.broadcast %div3A_241 : vector<512x1xf32> to vector<512x192xf32>
    %mul3A_243 = arith.mulf %get3A_226, %mul3A_242 : vector<512x192xf32>
    %dot_general3A_244 = arith.constant dense<0.000000e+00> : vector<64x512xf32>
    %dot_general3A_245 = tpu.matmul %mul3A_106, %mul3A_243, %dot_general3A_244 {dimension_numbers = #tpu.dot_dimension_numbers<[1], [1], [0], [0], [0, 0, 1, 0], [], []>, transpose_lhs_hint = false} : vector<64x192xf32>, vector<512x192xf32>, vector<64x512xf32> -> vector<64x512xf32>
    %dma_wait3A_246 = arith.constant 4 : i32
    %dma_wait3A_247 = arith.constant 4 : i32
    %dma_wait3A_248 = tpu.memref_slice %arg5[%dma_wait3A_247] : memref<9x!tpu.dma_semaphore, #tpu.memory_space<semaphore_mem>> -> memref<1x!tpu.dma_semaphore, #tpu.memory_space<semaphore_mem>>
    %dma_wait3A_249 = tpu.memref_squeeze %dma_wait3A_248 : memref<1x!tpu.dma_semaphore, #tpu.memory_space<semaphore_mem>> -> memref<!tpu.dma_semaphore, #tpu.memory_space<semaphore_mem>>
    %dma_wait3A_250 = arith.constant 0 : i32
    %dma_wait3A_251 = arith.constant 0 : i32
    %dma_wait3A_252 = tpu.memref_slice %arg3[%dma_wait3A_246, %dma_wait3A_250, %dma_wait3A_251] : memref<8x512x192xf32, #tpu.memory_space<vmem>> -> memref<1x512x192xf32, #tpu.memory_space<vmem>>
    %dma_wait3A_253 = tpu.memref_squeeze %dma_wait3A_252 : memref<1x512x192xf32, #tpu.memory_space<vmem>> -> memref<512x192xf32, #tpu.memory_space<vmem>>
    %dma_wait3A_254 = arith.constant 5120 : i32
    %dma_wait3A_255 = arith.constant 0 : i32
    %dma_wait3A_256 = tpu.memref_slice %arg0[%dma_wait3A_254, %dma_wait3A_255] : memref<8192x192xf32, #tpu.memory_space<any>> -> memref<512x192xf32, #tpu.memory_space<any>>
    tpu.wait_dma2 semaphore(%dma_wait3A_249 : memref<!tpu.dma_semaphore, #tpu.memory_space<semaphore_mem>>) src(%dma_wait3A_256 : memref<512x192xf32, #tpu.memory_space<any>>) dst(%dma_wait3A_253 : memref<512x192xf32, #tpu.memory_space<vmem>>)
    %get3A_257 = arith.constant 4 : index
    %get3A_258 = arith.constant 0 : index
    %get3A_259 = arith.constant 0 : index
    %get3A_260 = vector.load %arg3[%get3A_257, %get3A_258, %get3A_259] : memref<8x512x192xf32, #tpu.memory_space<vmem>>, vector<1x512x192xf32>
    %get3A_261 = vector.shape_cast %get3A_260 : vector<1x512x192xf32> to vector<512x192xf32>
    %concatenate3A_262 = tpu.concatenate %get3A_261, %broadcast_in_dim3A_108 in 1 : vector<512x192xf32>, vector<512x64xf32> -> vector<512x256xf32>
    %swap3A_263 = arith.constant 2048 : index
    %swap3A_264 = arith.constant 0 : index
    %swap3A_265 = vector.load %arg2[%swap3A_263, %swap3A_264] : memref<4096x256xf32, #tpu.memory_space<vmem>>, vector<512x256xf32>
    tpu.vector_store %arg2[%swap3A_263, %swap3A_264], %concatenate3A_262 {strides = array<i32>} : memref<4096x256xf32, #tpu.memory_space<vmem>>, vector<512x256xf32>,
    %mul3A_266 = arith.mulf %get3A_261, %get3A_261 : vector<512x192xf32>
    %reduce_sum3A_267 = arith.constant dense<0.000000e+00> : vector<512xf32>
    %reduce_sum3A_268 = vector.multi_reduction <add>, %mul3A_266, %reduce_sum3A_267 [1] : vector<512x192xf32> to vector<512xf32>
    %broadcast_in_dim3A_269 = vector.shape_cast %reduce_sum3A_268 : vector<512xf32> to vector<512x1xf32>
    %sqrt3A_270 = math.sqrt %broadcast_in_dim3A_269 : vector<512x1xf32>
    %max3A_271 = arith.constant 9.99999993E-9 : f32
    %max3A_272 = vector.broadcast %max3A_271 : f32 to vector<512x1xf32>
    %max3A_273 = arith.maximumf %sqrt3A_270, %max3A_272 : vector<512x1xf32>
    %div3A_274 = arith.constant 1.000000e+00 : f32
    %div3A_275 = vector.broadcast %div3A_274 : f32 to vector<512x1xf32>
    %div3A_276 = arith.divf %div3A_275, %max3A_273 : vector<512x1xf32>
    %mul3A_277 = vector.broadcast %div3A_276 : vector<512x1xf32> to vector<512x192xf32>
    %mul3A_278 = arith.mulf %get3A_261, %mul3A_277 : vector<512x192xf32>
    %dot_general3A_279 = arith.constant dense<0.000000e+00> : vector<64x512xf32>
    %dot_general3A_280 = tpu.matmul %mul3A_106, %mul3A_278, %dot_general3A_279 {dimension_numbers = #tpu.dot_dimension_numbers<[1], [1], [0], [0], [0, 0, 1, 0], [], []>, transpose_lhs_hint = false} : vector<64x192xf32>, vector<512x192xf32>, vector<64x512xf32> -> vector<64x512xf32>
    %dma_wait3A_281 = arith.constant 5 : i32
    %dma_wait3A_282 = arith.constant 5 : i32
    %dma_wait3A_283 = tpu.memref_slice %arg5[%dma_wait3A_282] : memref<9x!tpu.dma_semaphore, #tpu.memory_space<semaphore_mem>> -> memref<1x!tpu.dma_semaphore, #tpu.memory_space<semaphore_mem>>
    %dma_wait3A_284 = tpu.memref_squeeze %dma_wait3A_283 : memref<1x!tpu.dma_semaphore, #tpu.memory_space<semaphore_mem>> -> memref<!tpu.dma_semaphore, #tpu.memory_space<semaphore_mem>>
    %dma_wait3A_285 = arith.constant 0 : i32
    %dma_wait3A_286 = arith.constant 0 : i32
    %dma_wait3A_287 = tpu.memref_slice %arg3[%dma_wait3A_281, %dma_wait3A_285, %dma_wait3A_286] : memref<8x512x192xf32, #tpu.memory_space<vmem>> -> memref<1x512x192xf32, #tpu.memory_space<vmem>>
    %dma_wait3A_288 = tpu.memref_squeeze %dma_wait3A_287 : memref<1x512x192xf32, #tpu.memory_space<vmem>> -> memref<512x192xf32, #tpu.memory_space<vmem>>
    %dma_wait3A_289 = arith.constant 5632 : i32
    %dma_wait3A_290 = arith.constant 0 : i32
    %dma_wait3A_291 = tpu.memref_slice %arg0[%dma_wait3A_289, %dma_wait3A_290] : memref<8192x192xf32, #tpu.memory_space<any>> -> memref<512x192xf32, #tpu.memory_space<any>>
    tpu.wait_dma2 semaphore(%dma_wait3A_284 : memref<!tpu.dma_semaphore, #tpu.memory_space<semaphore_mem>>) src(%dma_wait3A_291 : memref<512x192xf32, #tpu.memory_space<any>>) dst(%dma_wait3A_288 : memref<512x192xf32, #tpu.memory_space<vmem>>)
    %get3A_292 = arith.constant 5 : index
    %get3A_293 = arith.constant 0 : index
    %get3A_294 = arith.constant 0 : index
    %get3A_295 = vector.load %arg3[%get3A_292, %get3A_293, %get3A_294] : memref<8x512x192xf32, #tpu.memory_space<vmem>>, vector<1x512x192xf32>
    %get3A_296 = vector.shape_cast %get3A_295 : vector<1x512x192xf32> to vector<512x192xf32>
    %concatenate3A_297 = tpu.concatenate %get3A_296, %broadcast_in_dim3A_108 in 1 : vector<512x192xf32>, vector<512x64xf32> -> vector<512x256xf32>
    %swap3A_298 = arith.constant 2560 : index
    %swap3A_299 = arith.constant 0 : index
    %swap3A_300 = vector.load %arg2[%swap3A_298, %swap3A_299] : memref<4096x256xf32, #tpu.memory_space<vmem>>, vector<512x256xf32>
    tpu.vector_store %arg2[%swap3A_298, %swap3A_299], %concatenate3A_297 {strides = array<i32>} : memref<4096x256xf32, #tpu.memory_space<vmem>>, vector<512x256xf32>,
    %mul3A_301 = arith.mulf %get3A_296, %get3A_296 : vector<512x192xf32>
    %reduce_sum3A_302 = arith.constant dense<0.000000e+00> : vector<512xf32>
    %reduce_sum3A_303 = vector.multi_reduction <add>, %mul3A_301, %reduce_sum3A_302 [1] : vector<512x192xf32> to vector<512xf32>
    %broadcast_in_dim3A_304 = vector.shape_cast %reduce_sum3A_303 : vector<512xf32> to vector<512x1xf32>
    %sqrt3A_305 = math.sqrt %broadcast_in_dim3A_304 : vector<512x1xf32>
    %max3A_306 = arith.constant 9.99999993E-9 : f32
    %max3A_307 = vector.broadcast %max3A_306 : f32 to vector<512x1xf32>
    %max3A_308 = arith.maximumf %sqrt3A_305, %max3A_307 : vector<512x1xf32>
    %div3A_309 = arith.constant 1.000000e+00 : f32
    %div3A_310 = vector.broadcast %div3A_309 : f32 to vector<512x1xf32>
    %div3A_311 = arith.divf %div3A_310, %max3A_308 : vector<512x1xf32>
    %mul3A_312 = vector.broadcast %div3A_311 : vector<512x1xf32> to vector<512x192xf32>
    %mul3A_313 = arith.mulf %get3A_296, %mul3A_312 : vector<512x192xf32>
    %dot_general3A_314 = arith.constant dense<0.000000e+00> : vector<64x512xf32>
    %dot_general3A_315 = tpu.matmul %mul3A_106, %mul3A_313, %dot_general3A_314 {dimension_numbers = #tpu.dot_dimension_numbers<[1], [1], [0], [0], [0, 0, 1, 0], [], []>, transpose_lhs_hint = false} : vector<64x192xf32>, vector<512x192xf32>, vector<64x512xf32> -> vector<64x512xf32>
    %dma_wait3A_316 = arith.constant 6 : i32
    %dma_wait3A_317 = arith.constant 6 : i32
    %dma_wait3A_318 = tpu.memref_slice %arg5[%dma_wait3A_317] : memref<9x!tpu.dma_semaphore, #tpu.memory_space<semaphore_mem>> -> memref<1x!tpu.dma_semaphore, #tpu.memory_space<semaphore_mem>>
    %dma_wait3A_319 = tpu.memref_squeeze %dma_wait3A_318 : memref<1x!tpu.dma_semaphore, #tpu.memory_space<semaphore_mem>> -> memref<!tpu.dma_semaphore, #tpu.memory_space<semaphore_mem>>
    %dma_wait3A_320 = arith.constant 0 : i32
    %dma_wait3A_321 = arith.constant 0 : i32
    %dma_wait3A_322 = tpu.memref_slice %arg3[%dma_wait3A_316, %dma_wait3A_320, %dma_wait3A_321] : memref<8x512x192xf32, #tpu.memory_space<vmem>> -> memref<1x512x192xf32, #tpu.memory_space<vmem>>
    %dma_wait3A_323 = tpu.memref_squeeze %dma_wait3A_322 : memref<1x512x192xf32, #tpu.memory_space<vmem>> -> memref<512x192xf32, #tpu.memory_space<vmem>>
    %dma_wait3A_324 = arith.constant 7168 : i32
    %dma_wait3A_325 = arith.constant 0 : i32
    %dma_wait3A_326 = tpu.memref_slice %arg0[%dma_wait3A_324, %dma_wait3A_325] : memref<8192x192xf32, #tpu.memory_space<any>> -> memref<512x192xf32, #tpu.memory_space<any>>
    tpu.wait_dma2 semaphore(%dma_wait3A_319 : memref<!tpu.dma_semaphore, #tpu.memory_space<semaphore_mem>>) src(%dma_wait3A_326 : memref<512x192xf32, #tpu.memory_space<any>>) dst(%dma_wait3A_323 : memref<512x192xf32, #tpu.memory_space<vmem>>)
    %get3A_327 = arith.constant 6 : index
    %get3A_328 = arith.constant 0 : index
    %get3A_329 = arith.constant 0 : index
    %get3A_330 = vector.load %arg3[%get3A_327, %get3A_328, %get3A_329] : memref<8x512x192xf32, #tpu.memory_space<vmem>>, vector<1x512x192xf32>
    %get3A_331 = vector.shape_cast %get3A_330 : vector<1x512x192xf32> to vector<512x192xf32>
    %concatenate3A_332 = tpu.concatenate %get3A_331, %broadcast_in_dim3A_108 in 1 : vector<512x192xf32>, vector<512x64xf32> -> vector<512x256xf32>
    %swap3A_333 = arith.constant 3072 : index
    %swap3A_334 = arith.constant 0 : index
    %swap3A_335 = vector.load %arg2[%swap3A_333, %swap3A_334] : memref<4096x256xf32, #tpu.memory_space<vmem>>, vector<512x256xf32>
    tpu.vector_store %arg2[%swap3A_333, %swap3A_334], %concatenate3A_332 {strides = array<i32>} : memref<4096x256xf32, #tpu.memory_space<vmem>>, vector<512x256xf32>,
    %mul3A_336 = arith.mulf %get3A_331, %get3A_331 : vector<512x192xf32>
    %reduce_sum3A_337 = arith.constant dense<0.000000e+00> : vector<512xf32>
    %reduce_sum3A_338 = vector.multi_reduction <add>, %mul3A_336, %reduce_sum3A_337 [1] : vector<512x192xf32> to vector<512xf32>
    %broadcast_in_dim3A_339 = vector.shape_cast %reduce_sum3A_338 : vector<512xf32> to vector<512x1xf32>
    %sqrt3A_340 = math.sqrt %broadcast_in_dim3A_339 : vector<512x1xf32>
    %max3A_341 = arith.constant 9.99999993E-9 : f32
    %max3A_342 = vector.broadcast %max3A_341 : f32 to vector<512x1xf32>
    %max3A_343 = arith.maximumf %sqrt3A_340, %max3A_342 : vector<512x1xf32>
    %div3A_344 = arith.constant 1.000000e+00 : f32
    %div3A_345 = vector.broadcast %div3A_344 : f32 to vector<512x1xf32>
    %div3A_346 = arith.divf %div3A_345, %max3A_343 : vector<512x1xf32>
    %mul3A_347 = vector.broadcast %div3A_346 : vector<512x1xf32> to vector<512x192xf32>
    %mul3A_348 = arith.mulf %get3A_331, %mul3A_347 : vector<512x192xf32>
    %dot_general3A_349 = arith.constant dense<0.000000e+00> : vector<64x512xf32>
    %dot_general3A_350 = tpu.matmul %mul3A_106, %mul3A_348, %dot_general3A_349 {dimension_numbers = #tpu.dot_dimension_numbers<[1], [1], [0], [0], [0, 0, 1, 0], [], []>, transpose_lhs_hint = false} : vector<64x192xf32>, vector<512x192xf32>, vector<64x512xf32> -> vector<64x512xf32>
    %dma_wait3A_351 = arith.constant 7 : i32
    %dma_wait3A_352 = arith.constant 7 : i32
    %dma_wait3A_353 = tpu.memref_slice %arg5[%dma_wait3A_352] : memref<9x!tpu.dma_semaphore, #tpu.memory_space<semaphore_mem>> -> memref<1x!tpu.dma_semaphore, #tpu.memory_space<semaphore_mem>>
    %dma_wait3A_354 = tpu.memref_squeeze %dma_wait3A_353 : memref<1x!tpu.dma_semaphore, #tpu.memory_space<semaphore_mem>> -> memref<!tpu.dma_semaphore, #tpu.memory_space<semaphore_mem>>
    %dma_wait3A_355 = arith.constant 0 : i32
    %dma_wait3A_356 = arith.constant 0 : i32
    %dma_wait3A_357 = tpu.memref_slice %arg3[%dma_wait3A_351, %dma_wait3A_355, %dma_wait3A_356] : memref<8x512x192xf32, #tpu.memory_space<vmem>> -> memref<1x512x192xf32, #tpu.memory_space<vmem>>
    %dma_wait3A_358 = tpu.memref_squeeze %dma_wait3A_357 : memref<1x512x192xf32, #tpu.memory_space<vmem>> -> memref<512x192xf32, #tpu.memory_space<vmem>>
    %dma_wait3A_359 = arith.constant 7680 : i32
    %dma_wait3A_360 = arith.constant 0 : i32
    %dma_wait3A_361 = tpu.memref_slice %arg0[%dma_wait3A_359, %dma_wait3A_360] : memref<8192x192xf32, #tpu.memory_space<any>> -> memref<512x192xf32, #tpu.memory_space<any>>
    tpu.wait_dma2 semaphore(%dma_wait3A_354 : memref<!tpu.dma_semaphore, #tpu.memory_space<semaphore_mem>>) src(%dma_wait3A_361 : memref<512x192xf32, #tpu.memory_space<any>>) dst(%dma_wait3A_358 : memref<512x192xf32, #tpu.memory_space<vmem>>)
    %get3A_362 = arith.constant 7 : index
    %get3A_363 = arith.constant 0 : index
    %get3A_364 = arith.constant 0 : index
    %get3A_365 = vector.load %arg3[%get3A_362, %get3A_363, %get3A_364] : memref<8x512x192xf32, #tpu.memory_space<vmem>>, vector<1x512x192xf32>
    %get3A_366 = vector.shape_cast %get3A_365 : vector<1x512x192xf32> to vector<512x192xf32>
    %concatenate3A_367 = tpu.concatenate %get3A_366, %broadcast_in_dim3A_108 in 1 : vector<512x192xf32>, vector<512x64xf32> -> vector<512x256xf32>
    %swap3A_368 = arith.constant 3584 : index
    %swap3A_369 = arith.constant 0 : index
    %swap3A_370 = vector.load %arg2[%swap3A_368, %swap3A_369] : memref<4096x256xf32, #tpu.memory_space<vmem>>, vector<512x256xf32>
    tpu.vector_store %arg2[%swap3A_368, %swap3A_369], %concatenate3A_367 {strides = array<i32>} : memref<4096x256xf32, #tpu.memory_space<vmem>>, vector<512x256xf32>,
    %mul3A_371 = arith.mulf %get3A_366, %get3A_366 : vector<512x192xf32>
    %reduce_sum3A_372 = arith.constant dense<0.000000e+00> : vector<512xf32>
    %reduce_sum3A_373 = vector.multi_reduction <add>, %mul3A_371, %reduce_sum3A_372 [1] : vector<512x192xf32> to vector<512xf32>
    %broadcast_in_dim3A_374 = vector.shape_cast %reduce_sum3A_373 : vector<512xf32> to vector<512x1xf32>
    %sqrt3A_375 = math.sqrt %broadcast_in_dim3A_374 : vector<512x1xf32>
    %max3A_376 = arith.constant 9.99999993E-9 : f32
    %max3A_377 = vector.broadcast %max3A_376 : f32 to vector<512x1xf32>
    %max3A_378 = arith.maximumf %sqrt3A_375, %max3A_377 : vector<512x1xf32>
    %div3A_379 = arith.constant 1.000000e+00 : f32
    %div3A_380 = vector.broadcast %div3A_379 : f32 to vector<512x1xf32>
    %div3A_381 = arith.divf %div3A_380, %max3A_378 : vector<512x1xf32>
    %mul3A_382 = vector.broadcast %div3A_381 : vector<512x1xf32> to vector<512x192xf32>
    %mul3A_383 = arith.mulf %get3A_366, %mul3A_382 : vector<512x192xf32>
    %dot_general3A_384 = arith.constant dense<0.000000e+00> : vector<64x512xf32>
    %dot_general3A_385 = tpu.matmul %mul3A_106, %mul3A_383, %dot_general3A_384 {dimension_numbers = #tpu.dot_dimension_numbers<[1], [1], [0], [0], [0, 0, 1, 0], [], []>, transpose_lhs_hint = false} : vector<64x192xf32>, vector<512x192xf32>, vector<64x512xf32> -> vector<64x512xf32>
    %concatenate3A_386 = tpu.concatenate %dot_general3A_140, %dot_general3A_175, %dot_general3A_210, %dot_general3A_245, %dot_general3A_280, %dot_general3A_315, %dot_general3A_350, %dot_general3A_385 in 1 : vector<64x512xf32>, vector<64x512xf32>, vector<64x512xf32>, vector<64x512xf32>, vector<64x512xf32>, vector<64x512xf32>, vector<64x512xf32>, vector<64x512xf32> -> vector<64x4096xf32>
    %iota3A = tpu.iota {dimensions = array<i32: 1>} : vector<64x4096xi32>
    %reduce_max3A = arith.constant dense<0xFF800000> : vector<64xf32>
    %reduce_max3A_387 = vector.multi_reduction <maximumf>, %concatenate3A_386, %reduce_max3A [1] : vector<64x4096xf32> to vector<64xf32>
    %broadcast_in_dim3A_388 = vector.shape_cast %reduce_max3A_387 : vector<64xf32> to vector<64x1xf32>
    %eq3A = vector.broadcast %broadcast_in_dim3A_388 : vector<64x1xf32> to vector<64x4096xf32>
    %eq3A_389 = arith.cmpf oeq, %concatenate3A_386, %eq3A : vector<64x4096xf32>
    %jit3A = arith.constant 4096 : i32
    %broadcast_in_dim3A_390 = vector.broadcast %jit3A : i32 to vector<64x4096xi32>
    %select_n3A = arith.select %eq3A_389, %iota3A, %broadcast_in_dim3A_390 : vector<64x4096xi1>, vector<64x4096xi32>
    %reduce_min3A = arith.constant dense<2147483647> : vector<64xi32>
    %reduce_min3A_391 = vector.multi_reduction <minsi>, %select_n3A, %reduce_min3A [1] : vector<64x4096xi32> to vector<64xi32>
    %broadcast_in_dim3A_392 = vector.shape_cast %reduce_min3A_391 : vector<64xi32> to vector<64x1xi32>
    %swap3A_393 = arith.constant 0 : index
    %swap3A_394 = arith.constant 0 : index
    %swap3A_395 = vector.load %arg1[%swap3A_393, %swap3A_394] : memref<64x4xi32, #tpu.memory_space<vmem>>, vector<64x1xi32>
    tpu.vector_store %arg1[%swap3A_393, %swap3A_394], %broadcast_in_dim3A_392 {strides = array<i32>} : memref<64x4xi32, #tpu.memory_space<vmem>>, vector<64x1xi32>,
    %eq3A_396 = vector.broadcast %broadcast_in_dim3A_392 : vector<64x1xi32> to vector<64x4096xi32>
    %eq3A_397 = arith.cmpi eq, %iota3A, %eq3A_396 : vector<64x4096xi32>
    %jit3A_398 = arith.constant 0xFF800000 : f32
    %broadcast_in_dim3A_399 = vector.broadcast %jit3A_398 : f32 to vector<64x4096xf32>
    %select_n3A_400 = arith.select %eq3A_397, %broadcast_in_dim3A_399, %concatenate3A_386 : vector<64x4096xi1>, vector<64x4096xf32>
    %reduce_max3A_401 = arith.constant dense<0xFF800000> : vector<64xf32>
    %reduce_max3A_402 = vector.multi_reduction <maximumf>, %select_n3A_400, %reduce_max3A_401 [1] : vector<64x4096xf32> to vector<64xf32>
    %broadcast_in_dim3A_403 = vector.shape_cast %reduce_max3A_402 : vector<64xf32> to vector<64x1xf32>
    %eq3A_404 = vector.broadcast %broadcast_in_dim3A_403 : vector<64x1xf32> to vector<64x4096xf32>
    %eq3A_405 = arith.cmpf oeq, %select_n3A_400, %eq3A_404 : vector<64x4096xf32>
    %jit3A_406 = arith.constant 4096 : i32
    %broadcast_in_dim3A_407 = vector.broadcast %jit3A_406 : i32 to vector<64x4096xi32>
    %select_n3A_408 = arith.select %eq3A_405, %iota3A, %broadcast_in_dim3A_407 : vector<64x4096xi1>, vector<64x4096xi32>
    %reduce_min3A_409 = arith.constant dense<2147483647> : vector<64xi32>
    %reduce_min3A_410 = vector.multi_reduction <minsi>, %select_n3A_408, %reduce_min3A_409 [1] : vector<64x4096xi32> to vector<64xi32>
    %broadcast_in_dim3A_411 = vector.shape_cast %reduce_min3A_410 : vector<64xi32> to vector<64x1xi32>
    %swap3A_412 = arith.constant 0 : index
    %swap3A_413 = arith.constant 1 : index
    %swap3A_414 = vector.load %arg1[%swap3A_412, %swap3A_413] : memref<64x4xi32, #tpu.memory_space<vmem>>, vector<64x1xi32>
    tpu.vector_store %arg1[%swap3A_412, %swap3A_413], %broadcast_in_dim3A_411 {strides = array<i32>} : memref<64x4xi32, #tpu.memory_space<vmem>>, vector<64x1xi32>,
    %eq3A_415 = vector.broadcast %broadcast_in_dim3A_411 : vector<64x1xi32> to vector<64x4096xi32>
    %eq3A_416 = arith.cmpi eq, %iota3A, %eq3A_415 : vector<64x4096xi32>
    %jit3A_417 = arith.constant 0xFF800000 : f32
    %broadcast_in_dim3A_418 = vector.broadcast %jit3A_417 : f32 to vector<64x4096xf32>
    %select_n3A_419 = arith.select %eq3A_416, %broadcast_in_dim3A_418, %select_n3A_400 : vector<64x4096xi1>, vector<64x4096xf32>
    %reduce_max3A_420 = arith.constant dense<0xFF800000> : vector<64xf32>
    %reduce_max3A_421 = vector.multi_reduction <maximumf>, %select_n3A_419, %reduce_max3A_420 [1] : vector<64x4096xf32> to vector<64xf32>
    %broadcast_in_dim3A_422 = vector.shape_cast %reduce_max3A_421 : vector<64xf32> to vector<64x1xf32>
    %eq3A_423 = vector.broadcast %broadcast_in_dim3A_422 : vector<64x1xf32> to vector<64x4096xf32>
    %eq3A_424 = arith.cmpf oeq, %select_n3A_419, %eq3A_423 : vector<64x4096xf32>
    %jit3A_425 = arith.constant 4096 : i32
    %broadcast_in_dim3A_426 = vector.broadcast %jit3A_425 : i32 to vector<64x4096xi32>
    %select_n3A_427 = arith.select %eq3A_424, %iota3A, %broadcast_in_dim3A_426 : vector<64x4096xi1>, vector<64x4096xi32>
    %reduce_min3A_428 = arith.constant dense<2147483647> : vector<64xi32>
    %reduce_min3A_429 = vector.multi_reduction <minsi>, %select_n3A_427, %reduce_min3A_428 [1] : vector<64x4096xi32> to vector<64xi32>
    %broadcast_in_dim3A_430 = vector.shape_cast %reduce_min3A_429 : vector<64xi32> to vector<64x1xi32>
    %swap3A_431 = arith.constant 0 : index
    %swap3A_432 = arith.constant 2 : index
    %swap3A_433 = vector.load %arg1[%swap3A_431, %swap3A_432] : memref<64x4xi32, #tpu.memory_space<vmem>>, vector<64x1xi32>
    tpu.vector_store %arg1[%swap3A_431, %swap3A_432], %broadcast_in_dim3A_430 {strides = array<i32>} : memref<64x4xi32, #tpu.memory_space<vmem>>, vector<64x1xi32>,
    %eq3A_434 = vector.broadcast %broadcast_in_dim3A_430 : vector<64x1xi32> to vector<64x4096xi32>
    %eq3A_435 = arith.cmpi eq, %iota3A, %eq3A_434 : vector<64x4096xi32>
    %jit3A_436 = arith.constant 0xFF800000 : f32
    %broadcast_in_dim3A_437 = vector.broadcast %jit3A_436 : f32 to vector<64x4096xf32>
    %select_n3A_438 = arith.select %eq3A_435, %broadcast_in_dim3A_437, %select_n3A_419 : vector<64x4096xi1>, vector<64x4096xf32>
    %reduce_max3A_439 = arith.constant dense<0xFF800000> : vector<64xf32>
    %reduce_max3A_440 = vector.multi_reduction <maximumf>, %select_n3A_438, %reduce_max3A_439 [1] : vector<64x4096xf32> to vector<64xf32>
    %broadcast_in_dim3A_441 = vector.shape_cast %reduce_max3A_440 : vector<64xf32> to vector<64x1xf32>
    %eq3A_442 = vector.broadcast %broadcast_in_dim3A_441 : vector<64x1xf32> to vector<64x4096xf32>
    %eq3A_443 = arith.cmpf oeq, %select_n3A_438, %eq3A_442 : vector<64x4096xf32>
    %jit3A_444 = arith.constant 4096 : i32
    %broadcast_in_dim3A_445 = vector.broadcast %jit3A_444 : i32 to vector<64x4096xi32>
    %select_n3A_446 = arith.select %eq3A_443, %iota3A, %broadcast_in_dim3A_445 : vector<64x4096xi1>, vector<64x4096xi32>
    %reduce_min3A_447 = arith.constant dense<2147483647> : vector<64xi32>
    %reduce_min3A_448 = vector.multi_reduction <minsi>, %select_n3A_446, %reduce_min3A_447 [1] : vector<64x4096xi32> to vector<64xi32>
    %broadcast_in_dim3A_449 = vector.shape_cast %reduce_min3A_448 : vector<64xi32> to vector<64x1xi32>
    %swap3A_450 = arith.constant 0 : index
    %swap3A_451 = arith.constant 3 : index
    %swap3A_452 = vector.load %arg1[%swap3A_450, %swap3A_451] : memref<64x4xi32, #tpu.memory_space<vmem>>, vector<64x1xi32>
    tpu.vector_store %arg1[%swap3A_450, %swap3A_451], %broadcast_in_dim3A_449 {strides = array<i32>} : memref<64x4xi32, #tpu.memory_space<vmem>>, vector<64x1xi32>,
    return
  }
}

module attributes {stable_mosaic.version = 14 : i64} {
  func.func @_stage_b(%arg0: memref<8192x192xf32, #tpu.memory_space<any>>, %arg1: memref<4x64x192xf32, #tpu.memory_space<vmem>>, %arg2: memref<256x256xf32, #tpu.memory_space<vmem>>, %arg3: memref<1x1xf32, #tpu.memory_space<vmem>>, %arg4: memref<4x64x192xf32, #tpu.memory_space<vmem>>, %arg5: memref<4x!tpu.dma_semaphore, #tpu.memory_space<semaphore_mem>>) attributes {dimension_semantics = [], scalar_prefetch = 0 : i64, scratch_operands = 2 : i64, tpu.core_type = #tpu.core_type<tc>} {
    %dma_start3A = arith.constant 0 : i32
    %dma_start3A_0 = arith.constant 0 : i32
    %dma_start3A_1 = tpu.memref_slice %arg5[%dma_start3A_0] : memref<4x!tpu.dma_semaphore, #tpu.memory_space<semaphore_mem>> -> memref<1x!tpu.dma_semaphore, #tpu.memory_space<semaphore_mem>>
    %dma_start3A_2 = tpu.memref_squeeze %dma_start3A_1 : memref<1x!tpu.dma_semaphore, #tpu.memory_space<semaphore_mem>> -> memref<!tpu.dma_semaphore, #tpu.memory_space<semaphore_mem>>
    %dma_start3A_3 = arith.constant 0 : i32
    %dma_start3A_4 = arith.constant 0 : i32
    %dma_start3A_5 = tpu.memref_slice %arg4[%dma_start3A, %dma_start3A_3, %dma_start3A_4] : memref<4x64x192xf32, #tpu.memory_space<vmem>> -> memref<1x64x192xf32, #tpu.memory_space<vmem>>
    %dma_start3A_6 = tpu.memref_squeeze %dma_start3A_5 : memref<1x64x192xf32, #tpu.memory_space<vmem>> -> memref<64x192xf32, #tpu.memory_space<vmem>>
    %dma_start3A_7 = arith.constant 0 : i32
    %dma_start3A_8 = arith.constant 0 : i32
    %dma_start3A_9 = tpu.memref_slice %arg0[%dma_start3A_7, %dma_start3A_8] : memref<8192x192xf32, #tpu.memory_space<any>> -> memref<64x192xf32, #tpu.memory_space<any>>
    tpu.enqueue_dma source(%dma_start3A_9 : memref<64x192xf32, #tpu.memory_space<any>>) target(%dma_start3A_6 : memref<64x192xf32, #tpu.memory_space<vmem>>) target_semaphore(%dma_start3A_2 : memref<!tpu.dma_semaphore, #tpu.memory_space<semaphore_mem>>)
    %dma_start3A_10 = arith.constant 1 : i32
    %dma_start3A_11 = arith.constant 1 : i32
    %dma_start3A_12 = tpu.memref_slice %arg5[%dma_start3A_11] : memref<4x!tpu.dma_semaphore, #tpu.memory_space<semaphore_mem>> -> memref<1x!tpu.dma_semaphore, #tpu.memory_space<semaphore_mem>>
    %dma_start3A_13 = tpu.memref_squeeze %dma_start3A_12 : memref<1x!tpu.dma_semaphore, #tpu.memory_space<semaphore_mem>> -> memref<!tpu.dma_semaphore, #tpu.memory_space<semaphore_mem>>
    %dma_start3A_14 = arith.constant 0 : i32
    %dma_start3A_15 = arith.constant 0 : i32
    %dma_start3A_16 = tpu.memref_slice %arg4[%dma_start3A_10, %dma_start3A_14, %dma_start3A_15] : memref<4x64x192xf32, #tpu.memory_space<vmem>> -> memref<1x64x192xf32, #tpu.memory_space<vmem>>
    %dma_start3A_17 = tpu.memref_squeeze %dma_start3A_16 : memref<1x64x192xf32, #tpu.memory_space<vmem>> -> memref<64x192xf32, #tpu.memory_space<vmem>>
    %dma_start3A_18 = arith.constant 2048 : i32
    %dma_start3A_19 = arith.constant 0 : i32
    %dma_start3A_20 = tpu.memref_slice %arg0[%dma_start3A_18, %dma_start3A_19] : memref<8192x192xf32, #tpu.memory_space<any>> -> memref<64x192xf32, #tpu.memory_space<any>>
    tpu.enqueue_dma source(%dma_start3A_20 : memref<64x192xf32, #tpu.memory_space<any>>) target(%dma_start3A_17 : memref<64x192xf32, #tpu.memory_space<vmem>>) target_semaphore(%dma_start3A_13 : memref<!tpu.dma_semaphore, #tpu.memory_space<semaphore_mem>>)
    %dma_start3A_21 = arith.constant 2 : i32
    %dma_start3A_22 = arith.constant 2 : i32
    %dma_start3A_23 = tpu.memref_slice %arg5[%dma_start3A_22] : memref<4x!tpu.dma_semaphore, #tpu.memory_space<semaphore_mem>> -> memref<1x!tpu.dma_semaphore, #tpu.memory_space<semaphore_mem>>
    %dma_start3A_24 = tpu.memref_squeeze %dma_start3A_23 : memref<1x!tpu.dma_semaphore, #tpu.memory_space<semaphore_mem>> -> memref<!tpu.dma_semaphore, #tpu.memory_space<semaphore_mem>>
    %dma_start3A_25 = arith.constant 0 : i32
    %dma_start3A_26 = arith.constant 0 : i32
    %dma_start3A_27 = tpu.memref_slice %arg4[%dma_start3A_21, %dma_start3A_25, %dma_start3A_26] : memref<4x64x192xf32, #tpu.memory_space<vmem>> -> memref<1x64x192xf32, #tpu.memory_space<vmem>>
    %dma_start3A_28 = tpu.memref_squeeze %dma_start3A_27 : memref<1x64x192xf32, #tpu.memory_space<vmem>> -> memref<64x192xf32, #tpu.memory_space<vmem>>
    %dma_start3A_29 = arith.constant 4096 : i32
    %dma_start3A_30 = arith.constant 0 : i32
    %dma_start3A_31 = tpu.memref_slice %arg0[%dma_start3A_29, %dma_start3A_30] : memref<8192x192xf32, #tpu.memory_space<any>> -> memref<64x192xf32, #tpu.memory_space<any>>
    tpu.enqueue_dma source(%dma_start3A_31 : memref<64x192xf32, #tpu.memory_space<any>>) target(%dma_start3A_28 : memref<64x192xf32, #tpu.memory_space<vmem>>) target_semaphore(%dma_start3A_24 : memref<!tpu.dma_semaphore, #tpu.memory_space<semaphore_mem>>)
    %dma_start3A_32 = arith.constant 3 : i32
    %dma_start3A_33 = arith.constant 3 : i32
    %dma_start3A_34 = tpu.memref_slice %arg5[%dma_start3A_33] : memref<4x!tpu.dma_semaphore, #tpu.memory_space<semaphore_mem>> -> memref<1x!tpu.dma_semaphore, #tpu.memory_space<semaphore_mem>>
    %dma_start3A_35 = tpu.memref_squeeze %dma_start3A_34 : memref<1x!tpu.dma_semaphore, #tpu.memory_space<semaphore_mem>> -> memref<!tpu.dma_semaphore, #tpu.memory_space<semaphore_mem>>
    %dma_start3A_36 = arith.constant 0 : i32
    %dma_start3A_37 = arith.constant 0 : i32
    %dma_start3A_38 = tpu.memref_slice %arg4[%dma_start3A_32, %dma_start3A_36, %dma_start3A_37] : memref<4x64x192xf32, #tpu.memory_space<vmem>> -> memref<1x64x192xf32, #tpu.memory_space<vmem>>
    %dma_start3A_39 = tpu.memref_squeeze %dma_start3A_38 : memref<1x64x192xf32, #tpu.memory_space<vmem>> -> memref<64x192xf32, #tpu.memory_space<vmem>>
    %dma_start3A_40 = arith.constant 6144 : i32
    %dma_start3A_41 = arith.constant 0 : i32
    %dma_start3A_42 = tpu.memref_slice %arg0[%dma_start3A_40, %dma_start3A_41] : memref<8192x192xf32, #tpu.memory_space<any>> -> memref<64x192xf32, #tpu.memory_space<any>>
    tpu.enqueue_dma source(%dma_start3A_42 : memref<64x192xf32, #tpu.memory_space<any>>) target(%dma_start3A_39 : memref<64x192xf32, #tpu.memory_space<vmem>>) target_semaphore(%dma_start3A_35 : memref<!tpu.dma_semaphore, #tpu.memory_space<semaphore_mem>>)
    %dma_wait3A = arith.constant 0 : i32
    %dma_wait3A_43 = arith.constant 0 : i32
    %dma_wait3A_44 = tpu.memref_slice %arg5[%dma_wait3A_43] : memref<4x!tpu.dma_semaphore, #tpu.memory_space<semaphore_mem>> -> memref<1x!tpu.dma_semaphore, #tpu.memory_space<semaphore_mem>>
    %dma_wait3A_45 = tpu.memref_squeeze %dma_wait3A_44 : memref<1x!tpu.dma_semaphore, #tpu.memory_space<semaphore_mem>> -> memref<!tpu.dma_semaphore, #tpu.memory_space<semaphore_mem>>
    %dma_wait3A_46 = arith.constant 0 : i32
    %dma_wait3A_47 = arith.constant 0 : i32
    %dma_wait3A_48 = tpu.memref_slice %arg4[%dma_wait3A, %dma_wait3A_46, %dma_wait3A_47] : memref<4x64x192xf32, #tpu.memory_space<vmem>> -> memref<1x64x192xf32, #tpu.memory_space<vmem>>
    %dma_wait3A_49 = tpu.memref_squeeze %dma_wait3A_48 : memref<1x64x192xf32, #tpu.memory_space<vmem>> -> memref<64x192xf32, #tpu.memory_space<vmem>>
    %dma_wait3A_50 = arith.constant 0 : i32
    %dma_wait3A_51 = arith.constant 0 : i32
    %dma_wait3A_52 = tpu.memref_slice %arg0[%dma_wait3A_50, %dma_wait3A_51] : memref<8192x192xf32, #tpu.memory_space<any>> -> memref<64x192xf32, #tpu.memory_space<any>>
    tpu.wait_dma2 semaphore(%dma_wait3A_45 : memref<!tpu.dma_semaphore, #tpu.memory_space<semaphore_mem>>) src(%dma_wait3A_52 : memref<64x192xf32, #tpu.memory_space<any>>) dst(%dma_wait3A_49 : memref<64x192xf32, #tpu.memory_space<vmem>>)
    %dma_wait3A_53 = arith.constant 1 : i32
    %dma_wait3A_54 = arith.constant 1 : i32
    %dma_wait3A_55 = tpu.memref_slice %arg5[%dma_wait3A_54] : memref<4x!tpu.dma_semaphore, #tpu.memory_space<semaphore_mem>> -> memref<1x!tpu.dma_semaphore, #tpu.memory_space<semaphore_mem>>
    %dma_wait3A_56 = tpu.memref_squeeze %dma_wait3A_55 : memref<1x!tpu.dma_semaphore, #tpu.memory_space<semaphore_mem>> -> memref<!tpu.dma_semaphore, #tpu.memory_space<semaphore_mem>>
    %dma_wait3A_57 = arith.constant 0 : i32
    %dma_wait3A_58 = arith.constant 0 : i32
    %dma_wait3A_59 = tpu.memref_slice %arg4[%dma_wait3A_53, %dma_wait3A_57, %dma_wait3A_58] : memref<4x64x192xf32, #tpu.memory_space<vmem>> -> memref<1x64x192xf32, #tpu.memory_space<vmem>>
    %dma_wait3A_60 = tpu.memref_squeeze %dma_wait3A_59 : memref<1x64x192xf32, #tpu.memory_space<vmem>> -> memref<64x192xf32, #tpu.memory_space<vmem>>
    %dma_wait3A_61 = arith.constant 2048 : i32
    %dma_wait3A_62 = arith.constant 0 : i32
    %dma_wait3A_63 = tpu.memref_slice %arg0[%dma_wait3A_61, %dma_wait3A_62] : memref<8192x192xf32, #tpu.memory_space<any>> -> memref<64x192xf32, #tpu.memory_space<any>>
    tpu.wait_dma2 semaphore(%dma_wait3A_56 : memref<!tpu.dma_semaphore, #tpu.memory_space<semaphore_mem>>) src(%dma_wait3A_63 : memref<64x192xf32, #tpu.memory_space<any>>) dst(%dma_wait3A_60 : memref<64x192xf32, #tpu.memory_space<vmem>>)
    %dma_wait3A_64 = arith.constant 2 : i32
    %dma_wait3A_65 = arith.constant 2 : i32
    %dma_wait3A_66 = tpu.memref_slice %arg5[%dma_wait3A_65] : memref<4x!tpu.dma_semaphore, #tpu.memory_space<semaphore_mem>> -> memref<1x!tpu.dma_semaphore, #tpu.memory_space<semaphore_mem>>
    %dma_wait3A_67 = tpu.memref_squeeze %dma_wait3A_66 : memref<1x!tpu.dma_semaphore, #tpu.memory_space<semaphore_mem>> -> memref<!tpu.dma_semaphore, #tpu.memory_space<semaphore_mem>>
    %dma_wait3A_68 = arith.constant 0 : i32
    %dma_wait3A_69 = arith.constant 0 : i32
    %dma_wait3A_70 = tpu.memref_slice %arg4[%dma_wait3A_64, %dma_wait3A_68, %dma_wait3A_69] : memref<4x64x192xf32, #tpu.memory_space<vmem>> -> memref<1x64x192xf32, #tpu.memory_space<vmem>>
    %dma_wait3A_71 = tpu.memref_squeeze %dma_wait3A_70 : memref<1x64x192xf32, #tpu.memory_space<vmem>> -> memref<64x192xf32, #tpu.memory_space<vmem>>
    %dma_wait3A_72 = arith.constant 4096 : i32
    %dma_wait3A_73 = arith.constant 0 : i32
    %dma_wait3A_74 = tpu.memref_slice %arg0[%dma_wait3A_72, %dma_wait3A_73] : memref<8192x192xf32, #tpu.memory_space<any>> -> memref<64x192xf32, #tpu.memory_space<any>>
    tpu.wait_dma2 semaphore(%dma_wait3A_67 : memref<!tpu.dma_semaphore, #tpu.memory_space<semaphore_mem>>) src(%dma_wait3A_74 : memref<64x192xf32, #tpu.memory_space<any>>) dst(%dma_wait3A_71 : memref<64x192xf32, #tpu.memory_space<vmem>>)
    %dma_wait3A_75 = arith.constant 3 : i32
    %dma_wait3A_76 = arith.constant 3 : i32
    %dma_wait3A_77 = tpu.memref_slice %arg5[%dma_wait3A_76] : memref<4x!tpu.dma_semaphore, #tpu.memory_space<semaphore_mem>> -> memref<1x!tpu.dma_semaphore, #tpu.memory_space<semaphore_mem>>
    %dma_wait3A_78 = tpu.memref_squeeze %dma_wait3A_77 : memref<1x!tpu.dma_semaphore, #tpu.memory_space<semaphore_mem>> -> memref<!tpu.dma_semaphore, #tpu.memory_space<semaphore_mem>>
    %dma_wait3A_79 = arith.constant 0 : i32
    %dma_wait3A_80 = arith.constant 0 : i32
    %dma_wait3A_81 = tpu.memref_slice %arg4[%dma_wait3A_75, %dma_wait3A_79, %dma_wait3A_80] : memref<4x64x192xf32, #tpu.memory_space<vmem>> -> memref<1x64x192xf32, #tpu.memory_space<vmem>>
    %dma_wait3A_82 = tpu.memref_squeeze %dma_wait3A_81 : memref<1x64x192xf32, #tpu.memory_space<vmem>> -> memref<64x192xf32, #tpu.memory_space<vmem>>
    %dma_wait3A_83 = arith.constant 6144 : i32
    %dma_wait3A_84 = arith.constant 0 : i32
    %dma_wait3A_85 = tpu.memref_slice %arg0[%dma_wait3A_83, %dma_wait3A_84] : memref<8192x192xf32, #tpu.memory_space<any>> -> memref<64x192xf32, #tpu.memory_space<any>>
    tpu.wait_dma2 semaphore(%dma_wait3A_78 : memref<!tpu.dma_semaphore, #tpu.memory_space<semaphore_mem>>) src(%dma_wait3A_85 : memref<64x192xf32, #tpu.memory_space<any>>) dst(%dma_wait3A_82 : memref<64x192xf32, #tpu.memory_space<vmem>>)
    %broadcast_in_dim3A = arith.constant 0.000000e+00 : f32
    %broadcast_in_dim3A_86 = vector.broadcast %broadcast_in_dim3A : f32 to vector<64x64xf32>
    %get3A = arith.constant 0 : index
    %get3A_87 = arith.constant 0 : index
    %get3A_88 = arith.constant 0 : index
    %get3A_89 = vector.load %arg4[%get3A, %get3A_87, %get3A_88] : memref<4x64x192xf32, #tpu.memory_space<vmem>>, vector<1x64x192xf32>
    %get3A_90 = vector.shape_cast %get3A_89 : vector<1x64x192xf32> to vector<64x192xf32>
    %concatenate3A = tpu.concatenate %get3A_90, %broadcast_in_dim3A_86 in 1 : vector<64x192xf32>, vector<64x64xf32> -> vector<64x256xf32>
    %get3A_91 = arith.constant 0 : index
    %get3A_92 = arith.constant 0 : index
    %get3A_93 = arith.constant 0 : index
    %get3A_94 = vector.load %arg1[%get3A_91, %get3A_92, %get3A_93] : memref<4x64x192xf32, #tpu.memory_space<vmem>>, vector<1x64x192xf32>
    %get3A_95 = vector.shape_cast %get3A_94 : vector<1x64x192xf32> to vector<64x192xf32>
    %concatenate3A_96 = tpu.concatenate %get3A_95, %broadcast_in_dim3A_86 in 1 : vector<64x192xf32>, vector<64x64xf32> -> vector<64x256xf32>
    %get3A_97 = arith.constant 1 : index
    %get3A_98 = arith.constant 0 : index
    %get3A_99 = arith.constant 0 : index
    %get3A_100 = vector.load %arg4[%get3A_97, %get3A_98, %get3A_99] : memref<4x64x192xf32, #tpu.memory_space<vmem>>, vector<1x64x192xf32>
    %get3A_101 = vector.shape_cast %get3A_100 : vector<1x64x192xf32> to vector<64x192xf32>
    %concatenate3A_102 = tpu.concatenate %get3A_101, %broadcast_in_dim3A_86 in 1 : vector<64x192xf32>, vector<64x64xf32> -> vector<64x256xf32>
    %get3A_103 = arith.constant 2 : index
    %get3A_104 = arith.constant 0 : index
    %get3A_105 = arith.constant 0 : index
    %get3A_106 = vector.load %arg4[%get3A_103, %get3A_104, %get3A_105] : memref<4x64x192xf32, #tpu.memory_space<vmem>>, vector<1x64x192xf32>
    %get3A_107 = vector.shape_cast %get3A_106 : vector<1x64x192xf32> to vector<64x192xf32>
    %concatenate3A_108 = tpu.concatenate %get3A_107, %broadcast_in_dim3A_86 in 1 : vector<64x192xf32>, vector<64x64xf32> -> vector<64x256xf32>
    %get3A_109 = arith.constant 3 : index
    %get3A_110 = arith.constant 0 : index
    %get3A_111 = arith.constant 0 : index
    %get3A_112 = vector.load %arg4[%get3A_109, %get3A_110, %get3A_111] : memref<4x64x192xf32, #tpu.memory_space<vmem>>, vector<1x64x192xf32>
    %get3A_113 = vector.shape_cast %get3A_112 : vector<1x64x192xf32> to vector<64x192xf32>
    %concatenate3A_114 = tpu.concatenate %get3A_113, %broadcast_in_dim3A_86 in 1 : vector<64x192xf32>, vector<64x64xf32> -> vector<64x256xf32>
    %concatenate3A_115 = tpu.concatenate %concatenate3A_102, %concatenate3A_108, %concatenate3A_114 in 0 : vector<64x256xf32>, vector<64x256xf32>, vector<64x256xf32> -> vector<192x256xf32>
    %get3A_116 = arith.constant 1 : index
    %get3A_117 = arith.constant 0 : index
    %get3A_118 = arith.constant 0 : index
    %get3A_119 = vector.load %arg1[%get3A_116, %get3A_117, %get3A_118] : memref<4x64x192xf32, #tpu.memory_space<vmem>>, vector<1x64x192xf32>
    %get3A_120 = vector.shape_cast %get3A_119 : vector<1x64x192xf32> to vector<64x192xf32>
    %concatenate3A_121 = tpu.concatenate %get3A_120, %broadcast_in_dim3A_86 in 1 : vector<64x192xf32>, vector<64x64xf32> -> vector<64x256xf32>
    %get3A_122 = arith.constant 2 : index
    %get3A_123 = arith.constant 0 : index
    %get3A_124 = arith.constant 0 : index
    %get3A_125 = vector.load %arg1[%get3A_122, %get3A_123, %get3A_124] : memref<4x64x192xf32, #tpu.memory_space<vmem>>, vector<1x64x192xf32>
    %get3A_126 = vector.shape_cast %get3A_125 : vector<1x64x192xf32> to vector<64x192xf32>
    %concatenate3A_127 = tpu.concatenate %get3A_126, %broadcast_in_dim3A_86 in 1 : vector<64x192xf32>, vector<64x64xf32> -> vector<64x256xf32>
    %get3A_128 = arith.constant 3 : index
    %get3A_129 = arith.constant 0 : index
    %get3A_130 = arith.constant 0 : index
    %get3A_131 = vector.load %arg1[%get3A_128, %get3A_129, %get3A_130] : memref<4x64x192xf32, #tpu.memory_space<vmem>>, vector<1x64x192xf32>
    %get3A_132 = vector.shape_cast %get3A_131 : vector<1x64x192xf32> to vector<64x192xf32>
    %concatenate3A_133 = tpu.concatenate %get3A_132, %broadcast_in_dim3A_86 in 1 : vector<64x192xf32>, vector<64x64xf32> -> vector<64x256xf32>
    %concatenate3A_134 = tpu.concatenate %concatenate3A_121, %concatenate3A_127, %concatenate3A_133 in 0 : vector<64x256xf32>, vector<64x256xf32>, vector<64x256xf32> -> vector<192x256xf32>
    %mul3A = arith.mulf %concatenate3A, %concatenate3A : vector<64x256xf32>
    %reduce_sum3A = arith.constant dense<0.000000e+00> : vector<64xf32>
    %reduce_sum3A_135 = vector.multi_reduction <add>, %mul3A, %reduce_sum3A [1] : vector<64x256xf32> to vector<64xf32>
    %broadcast_in_dim3A_136 = vector.shape_cast %reduce_sum3A_135 : vector<64xf32> to vector<64x1xf32>
    %mul3A_137 = arith.mulf %concatenate3A_96, %concatenate3A_96 : vector<64x256xf32>
    %reduce_sum3A_138 = arith.constant dense<0.000000e+00> : vector<64xf32>
    %reduce_sum3A_139 = vector.multi_reduction <add>, %mul3A_137, %reduce_sum3A_138 [1] : vector<64x256xf32> to vector<64xf32>
    %broadcast_in_dim3A_140 = vector.shape_cast %reduce_sum3A_139 : vector<64xf32> to vector<64x1xf32>
    %broadcast_in_dim3A_141 = arith.constant 1.000000e+00 : f32
    %broadcast_in_dim3A_142 = vector.broadcast %broadcast_in_dim3A_141 : f32 to vector<1x256xf32>
    %mul3A_143 = arith.mulf %concatenate3A_115, %concatenate3A_115 : vector<192x256xf32>
    %dot_general3A = arith.constant dense<0.000000e+00> : vector<1x192xf32>
    %dot_general3A_144 = tpu.matmul %broadcast_in_dim3A_142, %mul3A_143, %dot_general3A {dimension_numbers = #tpu.dot_dimension_numbers<[1], [1], [0], [0], [0, 0, 1, 0], [], []>, transpose_lhs_hint = false} : vector<1x256xf32>, vector<192x256xf32>, vector<1x192xf32> -> vector<1x192xf32>
    %mul3A_145 = arith.mulf %concatenate3A_134, %concatenate3A_134 : vector<192x256xf32>
    %dot_general3A_146 = arith.constant dense<0.000000e+00> : vector<1x192xf32>
    %dot_general3A_147 = tpu.matmul %broadcast_in_dim3A_142, %mul3A_145, %dot_general3A_146 {dimension_numbers = #tpu.dot_dimension_numbers<[1], [1], [0], [0], [0, 0, 1, 0], [], []>, transpose_lhs_hint = false} : vector<1x256xf32>, vector<192x256xf32>, vector<1x192xf32> -> vector<1x192xf32>
    %dot_general3A_148 = arith.constant dense<0.000000e+00> : vector<64x192xf32>
    %dot_general3A_149 = tpu.matmul %concatenate3A, %concatenate3A_115, %dot_general3A_148 {dimension_numbers = #tpu.dot_dimension_numbers<[1], [1], [0], [0], [0, 0, 1, 0], [], []>, transpose_lhs_hint = false} : vector<64x256xf32>, vector<192x256xf32>, vector<64x192xf32> -> vector<64x192xf32>
    %dot_general3A_150 = arith.constant dense<0.000000e+00> : vector<64x192xf32>
    %dot_general3A_151 = tpu.matmul %concatenate3A_96, %concatenate3A_134, %dot_general3A_150 {dimension_numbers = #tpu.dot_dimension_numbers<[1], [1], [0], [0], [0, 0, 1, 0], [], []>, transpose_lhs_hint = false} : vector<64x256xf32>, vector<192x256xf32>, vector<64x192xf32> -> vector<64x192xf32>
    %mul3A_152 = arith.constant 2.000000e+00 : f32
    %mul3A_153 = vector.broadcast %mul3A_152 : f32 to vector<64x192xf32>
    %mul3A_154 = arith.mulf %mul3A_153, %dot_general3A_149 : vector<64x192xf32>
    %sub3A = vector.broadcast %dot_general3A_144 : vector<1x192xf32> to vector<64x192xf32>
    %sub3A_155 = arith.subf %sub3A, %mul3A_154 : vector<64x192xf32>
    %add3A = vector.broadcast %broadcast_in_dim3A_136 : vector<64x1xf32> to vector<64x192xf32>
    %add3A_156 = arith.addf %sub3A_155, %add3A : vector<64x192xf32>
    %max3A = arith.constant 0.000000e+00 : f32
    %max3A_157 = vector.broadcast %max3A : f32 to vector<64x192xf32>
    %max3A_158 = arith.maximumf %add3A_156, %max3A_157 : vector<64x192xf32>
    %sqrt3A = math.sqrt %max3A_158 : vector<64x192xf32>
    %max3A_159 = arith.constant 9.99999993E-9 : f32
    %max3A_160 = vector.broadcast %max3A_159 : f32 to vector<64x192xf32>
    %max3A_161 = arith.maximumf %sqrt3A, %max3A_160 : vector<64x192xf32>
    %mul3A_162 = arith.constant 2.000000e+00 : f32
    %mul3A_163 = vector.broadcast %mul3A_162 : f32 to vector<64x192xf32>
    %mul3A_164 = arith.mulf %mul3A_163, %dot_general3A_151 : vector<64x192xf32>
    %sub3A_165 = vector.broadcast %dot_general3A_147 : vector<1x192xf32> to vector<64x192xf32>
    %sub3A_166 = arith.subf %sub3A_165, %mul3A_164 : vector<64x192xf32>
    %add3A_167 = vector.broadcast %broadcast_in_dim3A_140 : vector<64x1xf32> to vector<64x192xf32>
    %add3A_168 = arith.addf %sub3A_166, %add3A_167 : vector<64x192xf32>
    %max3A_169 = arith.constant 0.000000e+00 : f32
    %max3A_170 = vector.broadcast %max3A_169 : f32 to vector<64x192xf32>
    %max3A_171 = arith.maximumf %add3A_168, %max3A_170 : vector<64x192xf32>
    %sqrt3A_172 = math.sqrt %max3A_171 : vector<64x192xf32>
    %max3A_173 = arith.constant 9.99999993E-9 : f32
    %max3A_174 = vector.broadcast %max3A_173 : f32 to vector<64x192xf32>
    %max3A_175 = arith.maximumf %sqrt3A_172, %max3A_174 : vector<64x192xf32>
    %get3A_176 = arith.constant 0 : index
    %get3A_177 = arith.constant 0 : index
    %get3A_178 = vector.load %arg2[%get3A_176, %get3A_177] : memref<256x256xf32, #tpu.memory_space<vmem>>, vector<64x256xf32>
    %mul3A_179 = arith.mulf %get3A_178, %get3A_178 : vector<64x256xf32>
    %reduce_sum3A_180 = arith.constant dense<0.000000e+00> : vector<64xf32>
    %reduce_sum3A_181 = vector.multi_reduction <add>, %mul3A_179, %reduce_sum3A_180 [1] : vector<64x256xf32> to vector<64xf32>
    %broadcast_in_dim3A_182 = vector.shape_cast %reduce_sum3A_181 : vector<64xf32> to vector<64x1xf32>
    %mul3A_183 = arith.mulf %concatenate3A, %get3A_178 : vector<64x256xf32>
    %reduce_sum3A_184 = arith.constant dense<0.000000e+00> : vector<64xf32>
    %reduce_sum3A_185 = vector.multi_reduction <add>, %mul3A_183, %reduce_sum3A_184 [1] : vector<64x256xf32> to vector<64xf32>
    %broadcast_in_dim3A_186 = vector.shape_cast %reduce_sum3A_185 : vector<64xf32> to vector<64x1xf32>
    %mul3A_187 = arith.mulf %concatenate3A_96, %get3A_178 : vector<64x256xf32>
    %reduce_sum3A_188 = arith.constant dense<0.000000e+00> : vector<64xf32>
    %reduce_sum3A_189 = vector.multi_reduction <add>, %mul3A_187, %reduce_sum3A_188 [1] : vector<64x256xf32> to vector<64xf32>
    %broadcast_in_dim3A_190 = vector.shape_cast %reduce_sum3A_189 : vector<64xf32> to vector<64x1xf32>
    %dot_general3A_191 = arith.constant dense<0.000000e+00> : vector<64x192xf32>
    %dot_general3A_192 = tpu.matmul %get3A_178, %concatenate3A_115, %dot_general3A_191 {dimension_numbers = #tpu.dot_dimension_numbers<[1], [1], [0], [0], [0, 0, 1, 0], [], []>, transpose_lhs_hint = false} : vector<64x256xf32>, vector<192x256xf32>, vector<64x192xf32> -> vector<64x192xf32>
    %dot_general3A_193 = arith.constant dense<0.000000e+00> : vector<64x192xf32>
    %dot_general3A_194 = tpu.matmul %get3A_178, %concatenate3A_134, %dot_general3A_193 {dimension_numbers = #tpu.dot_dimension_numbers<[1], [1], [0], [0], [0, 0, 1, 0], [], []>, transpose_lhs_hint = false} : vector<64x256xf32>, vector<192x256xf32>, vector<64x192xf32> -> vector<64x192xf32>
    %mul3A_195 = arith.constant 2.000000e+00 : f32
    %mul3A_196 = vector.broadcast %mul3A_195 : f32 to vector<64x1xf32>
    %mul3A_197 = arith.mulf %mul3A_196, %broadcast_in_dim3A_186 : vector<64x1xf32>
    %sub3A_198 = arith.subf %broadcast_in_dim3A_182, %mul3A_197 : vector<64x1xf32>
    %add3A_199 = arith.addf %sub3A_198, %broadcast_in_dim3A_136 : vector<64x1xf32>
    %max3A_200 = arith.constant 0.000000e+00 : f32
    %max3A_201 = vector.broadcast %max3A_200 : f32 to vector<64x1xf32>
    %max3A_202 = arith.maximumf %add3A_199, %max3A_201 : vector<64x1xf32>
    %sqrt3A_203 = math.sqrt %max3A_202 : vector<64x1xf32>
    %max3A_204 = arith.constant 9.99999993E-9 : f32
    %max3A_205 = vector.broadcast %max3A_204 : f32 to vector<64x1xf32>
    %max3A_206 = arith.maximumf %sqrt3A_203, %max3A_205 : vector<64x1xf32>
    %mul3A_207 = arith.constant 2.000000e+00 : f32
    %mul3A_208 = vector.broadcast %mul3A_207 : f32 to vector<64x1xf32>
    %mul3A_209 = arith.mulf %mul3A_208, %broadcast_in_dim3A_190 : vector<64x1xf32>
    %sub3A_210 = arith.subf %broadcast_in_dim3A_182, %mul3A_209 : vector<64x1xf32>
    %add3A_211 = arith.addf %sub3A_210, %broadcast_in_dim3A_140 : vector<64x1xf32>
    %max3A_212 = arith.constant 0.000000e+00 : f32
    %max3A_213 = vector.broadcast %max3A_212 : f32 to vector<64x1xf32>
    %max3A_214 = arith.maximumf %add3A_211, %max3A_213 : vector<64x1xf32>
    %sqrt3A_215 = math.sqrt %max3A_214 : vector<64x1xf32>
    %max3A_216 = arith.constant 9.99999993E-9 : f32
    %max3A_217 = vector.broadcast %max3A_216 : f32 to vector<64x1xf32>
    %max3A_218 = arith.maximumf %sqrt3A_215, %max3A_217 : vector<64x1xf32>
    %sub3A_219 = arith.subf %dot_general3A_192, %dot_general3A_149 : vector<64x192xf32>
    %sub3A_220 = vector.broadcast %broadcast_in_dim3A_186 : vector<64x1xf32> to vector<64x192xf32>
    %sub3A_221 = arith.subf %sub3A_219, %sub3A_220 : vector<64x192xf32>
    %add3A_222 = vector.broadcast %broadcast_in_dim3A_136 : vector<64x1xf32> to vector<64x192xf32>
    %add3A_223 = arith.addf %sub3A_221, %add3A_222 : vector<64x192xf32>
    %mul3A_224 = vector.broadcast %max3A_206 : vector<64x1xf32> to vector<64x192xf32>
    %mul3A_225 = arith.mulf %max3A_161, %mul3A_224 : vector<64x192xf32>
    %div3A = arith.divf %add3A_223, %mul3A_225 : vector<64x192xf32>
    %sub3A_226 = arith.subf %dot_general3A_194, %dot_general3A_151 : vector<64x192xf32>
    %sub3A_227 = vector.broadcast %broadcast_in_dim3A_190 : vector<64x1xf32> to vector<64x192xf32>
    %sub3A_228 = arith.subf %sub3A_226, %sub3A_227 : vector<64x192xf32>
    %add3A_229 = vector.broadcast %broadcast_in_dim3A_140 : vector<64x1xf32> to vector<64x192xf32>
    %add3A_230 = arith.addf %sub3A_228, %add3A_229 : vector<64x192xf32>
    %mul3A_231 = vector.broadcast %max3A_218 : vector<64x1xf32> to vector<64x192xf32>
    %mul3A_232 = arith.mulf %max3A_175, %mul3A_231 : vector<64x192xf32>
    %div3A_233 = arith.divf %add3A_230, %mul3A_232 : vector<64x192xf32>
    %sub3A_234 = arith.subf %div3A_233, %div3A : vector<64x192xf32>
    %abs3A = math.absf %sub3A_234 : vector<64x192xf32>
    %reduce_sum3A_235 = vector.shape_cast %abs3A : vector<64x192xf32> to vector<1x64x192xf32>
    %reduce_sum3A_236 = arith.constant dense<0.000000e+00> : vector<1xf32>
    %reduce_sum3A_237 = vector.multi_reduction <add>, %reduce_sum3A_235, %reduce_sum3A_236 [1, 2] : vector<1x64x192xf32> to vector<1xf32>
    %reduce_sum3A_238 = vector.shape_cast %reduce_sum3A_237 : vector<1xf32> to vector<1x1x1xf32>
    %reduce_sum3A_239 = vector.extract %reduce_sum3A_238[0, 0, 0] : f32 from vector<1x1x1xf32>
    %add3A_240 = arith.constant 0.000000e+00 : f32
    %add3A_241 = arith.addf %add3A_240, %reduce_sum3A_239 : f32
    %sub3A_242 = arith.subf %dot_general3A_149, %dot_general3A_192 : vector<64x192xf32>
    %sub3A_243 = vector.broadcast %broadcast_in_dim3A_186 : vector<64x1xf32> to vector<64x192xf32>
    %sub3A_244 = arith.subf %sub3A_242, %sub3A_243 : vector<64x192xf32>
    %add3A_245 = vector.broadcast %broadcast_in_dim3A_182 : vector<64x1xf32> to vector<64x192xf32>
    %add3A_246 = arith.addf %sub3A_244, %add3A_245 : vector<64x192xf32>
    %mul3A_247 = arith.constant 2.000000e+00 : f32
    %mul3A_248 = vector.broadcast %mul3A_247 : f32 to vector<64x192xf32>
    %mul3A_249 = arith.mulf %mul3A_248, %dot_general3A_192 : vector<64x192xf32>
    %sub3A_250 = vector.broadcast %dot_general3A_144 : vector<1x192xf32> to vector<64x192xf32>
    %sub3A_251 = arith.subf %sub3A_250, %mul3A_249 : vector<64x192xf32>
    %add3A_252 = vector.broadcast %broadcast_in_dim3A_182 : vector<64x1xf32> to vector<64x192xf32>
    %add3A_253 = arith.addf %sub3A_251, %add3A_252 : vector<64x192xf32>
    %max3A_254 = arith.constant 0.000000e+00 : f32
    %max3A_255 = vector.broadcast %max3A_254 : f32 to vector<64x192xf32>
    %max3A_256 = arith.maximumf %add3A_253, %max3A_255 : vector<64x192xf32>
    %sqrt3A_257 = math.sqrt %max3A_256 : vector<64x192xf32>
    %max3A_258 = arith.constant 9.99999993E-9 : f32
    %max3A_259 = vector.broadcast %max3A_258 : f32 to vector<64x192xf32>
    %max3A_260 = arith.maximumf %sqrt3A_257, %max3A_259 : vector<64x192xf32>
    %mul3A_261 = vector.broadcast %max3A_206 : vector<64x1xf32> to vector<64x192xf32>
    %mul3A_262 = arith.mulf %mul3A_261, %max3A_260 : vector<64x192xf32>
    %div3A_263 = arith.divf %add3A_246, %mul3A_262 : vector<64x192xf32>
    %sub3A_264 = arith.subf %dot_general3A_151, %dot_general3A_194 : vector<64x192xf32>
    %sub3A_265 = vector.broadcast %broadcast_in_dim3A_190 : vector<64x1xf32> to vector<64x192xf32>
    %sub3A_266 = arith.subf %sub3A_264, %sub3A_265 : vector<64x192xf32>
    %add3A_267 = vector.broadcast %broadcast_in_dim3A_182 : vector<64x1xf32> to vector<64x192xf32>
    %add3A_268 = arith.addf %sub3A_266, %add3A_267 : vector<64x192xf32>
    %mul3A_269 = arith.constant 2.000000e+00 : f32
    %mul3A_270 = vector.broadcast %mul3A_269 : f32 to vector<64x192xf32>
    %mul3A_271 = arith.mulf %mul3A_270, %dot_general3A_194 : vector<64x192xf32>
    %sub3A_272 = vector.broadcast %dot_general3A_147 : vector<1x192xf32> to vector<64x192xf32>
    %sub3A_273 = arith.subf %sub3A_272, %mul3A_271 : vector<64x192xf32>
    %add3A_274 = vector.broadcast %broadcast_in_dim3A_182 : vector<64x1xf32> to vector<64x192xf32>
    %add3A_275 = arith.addf %sub3A_273, %add3A_274 : vector<64x192xf32>
    %max3A_276 = arith.constant 0.000000e+00 : f32
    %max3A_277 = vector.broadcast %max3A_276 : f32 to vector<64x192xf32>
    %max3A_278 = arith.maximumf %add3A_275, %max3A_277 : vector<64x192xf32>
    %sqrt3A_279 = math.sqrt %max3A_278 : vector<64x192xf32>
    %max3A_280 = arith.constant 9.99999993E-9 : f32
    %max3A_281 = vector.broadcast %max3A_280 : f32 to vector<64x192xf32>
    %max3A_282 = arith.maximumf %sqrt3A_279, %max3A_281 : vector<64x192xf32>
    %mul3A_283 = vector.broadcast %max3A_218 : vector<64x1xf32> to vector<64x192xf32>
    %mul3A_284 = arith.mulf %mul3A_283, %max3A_282 : vector<64x192xf32>
    %div3A_285 = arith.divf %add3A_268, %mul3A_284 : vector<64x192xf32>
    %sub3A_286 = arith.subf %div3A_285, %div3A_263 : vector<64x192xf32>
    %abs3A_287 = math.absf %sub3A_286 : vector<64x192xf32>
    %reduce_sum3A_288 = vector.shape_cast %abs3A_287 : vector<64x192xf32> to vector<1x64x192xf32>
    %reduce_sum3A_289 = arith.constant dense<0.000000e+00> : vector<1xf32>
    %reduce_sum3A_290 = vector.multi_reduction <add>, %reduce_sum3A_288, %reduce_sum3A_289 [1, 2] : vector<1x64x192xf32> to vector<1xf32>
    %reduce_sum3A_291 = vector.shape_cast %reduce_sum3A_290 : vector<1xf32> to vector<1x1x1xf32>
    %reduce_sum3A_292 = vector.extract %reduce_sum3A_291[0, 0, 0] : f32 from vector<1x1x1xf32>
    %add3A_293 = arith.addf %add3A_241, %reduce_sum3A_292 : f32
    %sub3A_294 = vector.broadcast %broadcast_in_dim3A_186 : vector<64x1xf32> to vector<64x192xf32>
    %sub3A_295 = arith.subf %sub3A_294, %dot_general3A_149 : vector<64x192xf32>
    %sub3A_296 = arith.subf %sub3A_295, %dot_general3A_192 : vector<64x192xf32>
    %add3A_297 = vector.broadcast %dot_general3A_144 : vector<1x192xf32> to vector<64x192xf32>
    %add3A_298 = arith.addf %sub3A_296, %add3A_297 : vector<64x192xf32>
    %mul3A_299 = arith.constant 2.000000e+00 : f32
    %mul3A_300 = vector.broadcast %mul3A_299 : f32 to vector<64x192xf32>
    %mul3A_301 = arith.mulf %mul3A_300, %dot_general3A_192 : vector<64x192xf32>
    %sub3A_302 = vector.broadcast %broadcast_in_dim3A_182 : vector<64x1xf32> to vector<64x192xf32>
    %sub3A_303 = arith.subf %sub3A_302, %mul3A_301 : vector<64x192xf32>
    %add3A_304 = vector.broadcast %dot_general3A_144 : vector<1x192xf32> to vector<64x192xf32>
    %add3A_305 = arith.addf %sub3A_303, %add3A_304 : vector<64x192xf32>
    %max3A_306 = arith.constant 0.000000e+00 : f32
    %max3A_307 = vector.broadcast %max3A_306 : f32 to vector<64x192xf32>
    %max3A_308 = arith.maximumf %add3A_305, %max3A_307 : vector<64x192xf32>
    %sqrt3A_309 = math.sqrt %max3A_308 : vector<64x192xf32>
    %max3A_310 = arith.constant 9.99999993E-9 : f32
    %max3A_311 = vector.broadcast %max3A_310 : f32 to vector<64x192xf32>
    %max3A_312 = arith.maximumf %sqrt3A_309, %max3A_311 : vector<64x192xf32>
    %mul3A_313 = arith.mulf %max3A_161, %max3A_312 : vector<64x192xf32>
    %div3A_314 = arith.divf %add3A_298, %mul3A_313 : vector<64x192xf32>
    %sub3A_315 = vector.broadcast %broadcast_in_dim3A_190 : vector<64x1xf32> to vector<64x192xf32>
    %sub3A_316 = arith.subf %sub3A_315, %dot_general3A_151 : vector<64x192xf32>
    %sub3A_317 = arith.subf %sub3A_316, %dot_general3A_194 : vector<64x192xf32>
    %add3A_318 = vector.broadcast %dot_general3A_147 : vector<1x192xf32> to vector<64x192xf32>
    %add3A_319 = arith.addf %sub3A_317, %add3A_318 : vector<64x192xf32>
    %mul3A_320 = arith.constant 2.000000e+00 : f32
    %mul3A_321 = vector.broadcast %mul3A_320 : f32 to vector<64x192xf32>
    %mul3A_322 = arith.mulf %mul3A_321, %dot_general3A_194 : vector<64x192xf32>
    %sub3A_323 = vector.broadcast %broadcast_in_dim3A_182 : vector<64x1xf32> to vector<64x192xf32>
    %sub3A_324 = arith.subf %sub3A_323, %mul3A_322 : vector<64x192xf32>
    %add3A_325 = vector.broadcast %dot_general3A_147 : vector<1x192xf32> to vector<64x192xf32>
    %add3A_326 = arith.addf %sub3A_324, %add3A_325 : vector<64x192xf32>
    %max3A_327 = arith.constant 0.000000e+00 : f32
    %max3A_328 = vector.broadcast %max3A_327 : f32 to vector<64x192xf32>
    %max3A_329 = arith.maximumf %add3A_326, %max3A_328 : vector<64x192xf32>
    %sqrt3A_330 = math.sqrt %max3A_329 : vector<64x192xf32>
    %max3A_331 = arith.constant 9.99999993E-9 : f32
    %max3A_332 = vector.broadcast %max3A_331 : f32 to vector<64x192xf32>
    %max3A_333 = arith.maximumf %sqrt3A_330, %max3A_332 : vector<64x192xf32>
    %mul3A_334 = arith.mulf %max3A_175, %max3A_333 : vector<64x192xf32>
    %div3A_335 = arith.divf %add3A_319, %mul3A_334 : vector<64x192xf32>
    %sub3A_336 = arith.subf %div3A_335, %div3A_314 : vector<64x192xf32>
    %abs3A_337 = math.absf %sub3A_336 : vector<64x192xf32>
    %reduce_sum3A_338 = vector.shape_cast %abs3A_337 : vector<64x192xf32> to vector<1x64x192xf32>
    %reduce_sum3A_339 = arith.constant dense<0.000000e+00> : vector<1xf32>
    %reduce_sum3A_340 = vector.multi_reduction <add>, %reduce_sum3A_338, %reduce_sum3A_339 [1, 2] : vector<1x64x192xf32> to vector<1xf32>
    %reduce_sum3A_341 = vector.shape_cast %reduce_sum3A_340 : vector<1xf32> to vector<1x1x1xf32>
    %reduce_sum3A_342 = vector.extract %reduce_sum3A_341[0, 0, 0] : f32 from vector<1x1x1xf32>
    %add3A_343 = arith.addf %add3A_293, %reduce_sum3A_342 : f32
    %get3A_344 = arith.constant 64 : index
    %get3A_345 = arith.constant 0 : index
    %get3A_346 = vector.load %arg2[%get3A_344, %get3A_345] : memref<256x256xf32, #tpu.memory_space<vmem>>, vector<64x256xf32>
    %mul3A_347 = arith.mulf %get3A_346, %get3A_346 : vector<64x256xf32>
    %reduce_sum3A_348 = arith.constant dense<0.000000e+00> : vector<64xf32>
    %reduce_sum3A_349 = vector.multi_reduction <add>, %mul3A_347, %reduce_sum3A_348 [1] : vector<64x256xf32> to vector<64xf32>
    %broadcast_in_dim3A_350 = vector.shape_cast %reduce_sum3A_349 : vector<64xf32> to vector<64x1xf32>
    %mul3A_351 = arith.mulf %concatenate3A, %get3A_346 : vector<64x256xf32>
    %reduce_sum3A_352 = arith.constant dense<0.000000e+00> : vector<64xf32>
    %reduce_sum3A_353 = vector.multi_reduction <add>, %mul3A_351, %reduce_sum3A_352 [1] : vector<64x256xf32> to vector<64xf32>
    %broadcast_in_dim3A_354 = vector.shape_cast %reduce_sum3A_353 : vector<64xf32> to vector<64x1xf32>
    %mul3A_355 = arith.mulf %concatenate3A_96, %get3A_346 : vector<64x256xf32>
    %reduce_sum3A_356 = arith.constant dense<0.000000e+00> : vector<64xf32>
    %reduce_sum3A_357 = vector.multi_reduction <add>, %mul3A_355, %reduce_sum3A_356 [1] : vector<64x256xf32> to vector<64xf32>
    %broadcast_in_dim3A_358 = vector.shape_cast %reduce_sum3A_357 : vector<64xf32> to vector<64x1xf32>
    %dot_general3A_359 = arith.constant dense<0.000000e+00> : vector<64x192xf32>
    %dot_general3A_360 = tpu.matmul %get3A_346, %concatenate3A_115, %dot_general3A_359 {dimension_numbers = #tpu.dot_dimension_numbers<[1], [1], [0], [0], [0, 0, 1, 0], [], []>, transpose_lhs_hint = false} : vector<64x256xf32>, vector<192x256xf32>, vector<64x192xf32> -> vector<64x192xf32>
    %dot_general3A_361 = arith.constant dense<0.000000e+00> : vector<64x192xf32>
    %dot_general3A_362 = tpu.matmul %get3A_346, %concatenate3A_134, %dot_general3A_361 {dimension_numbers = #tpu.dot_dimension_numbers<[1], [1], [0], [0], [0, 0, 1, 0], [], []>, transpose_lhs_hint = false} : vector<64x256xf32>, vector<192x256xf32>, vector<64x192xf32> -> vector<64x192xf32>
    %mul3A_363 = arith.constant 2.000000e+00 : f32
    %mul3A_364 = vector.broadcast %mul3A_363 : f32 to vector<64x1xf32>
    %mul3A_365 = arith.mulf %mul3A_364, %broadcast_in_dim3A_354 : vector<64x1xf32>
    %sub3A_366 = arith.subf %broadcast_in_dim3A_350, %mul3A_365 : vector<64x1xf32>
    %add3A_367 = arith.addf %sub3A_366, %broadcast_in_dim3A_136 : vector<64x1xf32>
    %max3A_368 = arith.constant 0.000000e+00 : f32
    %max3A_369 = vector.broadcast %max3A_368 : f32 to vector<64x1xf32>
    %max3A_370 = arith.maximumf %add3A_367, %max3A_369 : vector<64x1xf32>
    %sqrt3A_371 = math.sqrt %max3A_370 : vector<64x1xf32>
    %max3A_372 = arith.constant 9.99999993E-9 : f32
    %max3A_373 = vector.broadcast %max3A_372 : f32 to vector<64x1xf32>
    %max3A_374 = arith.maximumf %sqrt3A_371, %max3A_373 : vector<64x1xf32>
    %mul3A_375 = arith.constant 2.000000e+00 : f32
    %mul3A_376 = vector.broadcast %mul3A_375 : f32 to vector<64x1xf32>
    %mul3A_377 = arith.mulf %mul3A_376, %broadcast_in_dim3A_358 : vector<64x1xf32>
    %sub3A_378 = arith.subf %broadcast_in_dim3A_350, %mul3A_377 : vector<64x1xf32>
    %add3A_379 = arith.addf %sub3A_378, %broadcast_in_dim3A_140 : vector<64x1xf32>
    %max3A_380 = arith.constant 0.000000e+00 : f32
    %max3A_381 = vector.broadcast %max3A_380 : f32 to vector<64x1xf32>
    %max3A_382 = arith.maximumf %add3A_379, %max3A_381 : vector<64x1xf32>
    %sqrt3A_383 = math.sqrt %max3A_382 : vector<64x1xf32>
    %max3A_384 = arith.constant 9.99999993E-9 : f32
    %max3A_385 = vector.broadcast %max3A_384 : f32 to vector<64x1xf32>
    %max3A_386 = arith.maximumf %sqrt3A_383, %max3A_385 : vector<64x1xf32>
    %sub3A_387 = arith.subf %dot_general3A_360, %dot_general3A_149 : vector<64x192xf32>
    %sub3A_388 = vector.broadcast %broadcast_in_dim3A_354 : vector<64x1xf32> to vector<64x192xf32>
    %sub3A_389 = arith.subf %sub3A_387, %sub3A_388 : vector<64x192xf32>
    %add3A_390 = vector.broadcast %broadcast_in_dim3A_136 : vector<64x1xf32> to vector<64x192xf32>
    %add3A_391 = arith.addf %sub3A_389, %add3A_390 : vector<64x192xf32>
    %mul3A_392 = vector.broadcast %max3A_374 : vector<64x1xf32> to vector<64x192xf32>
    %mul3A_393 = arith.mulf %max3A_161, %mul3A_392 : vector<64x192xf32>
    %div3A_394 = arith.divf %add3A_391, %mul3A_393 : vector<64x192xf32>
    %sub3A_395 = arith.subf %dot_general3A_362, %dot_general3A_151 : vector<64x192xf32>
    %sub3A_396 = vector.broadcast %broadcast_in_dim3A_358 : vector<64x1xf32> to vector<64x192xf32>
    %sub3A_397 = arith.subf %sub3A_395, %sub3A_396 : vector<64x192xf32>
    %add3A_398 = vector.broadcast %broadcast_in_dim3A_140 : vector<64x1xf32> to vector<64x192xf32>
    %add3A_399 = arith.addf %sub3A_397, %add3A_398 : vector<64x192xf32>
    %mul3A_400 = vector.broadcast %max3A_386 : vector<64x1xf32> to vector<64x192xf32>
    %mul3A_401 = arith.mulf %max3A_175, %mul3A_400 : vector<64x192xf32>
    %div3A_402 = arith.divf %add3A_399, %mul3A_401 : vector<64x192xf32>
    %sub3A_403 = arith.subf %div3A_402, %div3A_394 : vector<64x192xf32>
    %abs3A_404 = math.absf %sub3A_403 : vector<64x192xf32>
    %reduce_sum3A_405 = vector.shape_cast %abs3A_404 : vector<64x192xf32> to vector<1x64x192xf32>
    %reduce_sum3A_406 = arith.constant dense<0.000000e+00> : vector<1xf32>
    %reduce_sum3A_407 = vector.multi_reduction <add>, %reduce_sum3A_405, %reduce_sum3A_406 [1, 2] : vector<1x64x192xf32> to vector<1xf32>
    %reduce_sum3A_408 = vector.shape_cast %reduce_sum3A_407 : vector<1xf32> to vector<1x1x1xf32>
    %reduce_sum3A_409 = vector.extract %reduce_sum3A_408[0, 0, 0] : f32 from vector<1x1x1xf32>
    %add3A_410 = arith.addf %add3A_343, %reduce_sum3A_409 : f32
    %sub3A_411 = arith.subf %dot_general3A_149, %dot_general3A_360 : vector<64x192xf32>
    %sub3A_412 = vector.broadcast %broadcast_in_dim3A_354 : vector<64x1xf32> to vector<64x192xf32>
    %sub3A_413 = arith.subf %sub3A_411, %sub3A_412 : vector<64x192xf32>
    %add3A_414 = vector.broadcast %broadcast_in_dim3A_350 : vector<64x1xf32> to vector<64x192xf32>
    %add3A_415 = arith.addf %sub3A_413, %add3A_414 : vector<64x192xf32>
    %mul3A_416 = arith.constant 2.000000e+00 : f32
    %mul3A_417 = vector.broadcast %mul3A_416 : f32 to vector<64x192xf32>
    %mul3A_418 = arith.mulf %mul3A_417, %dot_general3A_360 : vector<64x192xf32>
    %sub3A_419 = vector.broadcast %dot_general3A_144 : vector<1x192xf32> to vector<64x192xf32>
    %sub3A_420 = arith.subf %sub3A_419, %mul3A_418 : vector<64x192xf32>
    %add3A_421 = vector.broadcast %broadcast_in_dim3A_350 : vector<64x1xf32> to vector<64x192xf32>
    %add3A_422 = arith.addf %sub3A_420, %add3A_421 : vector<64x192xf32>
    %max3A_423 = arith.constant 0.000000e+00 : f32
    %max3A_424 = vector.broadcast %max3A_423 : f32 to vector<64x192xf32>
    %max3A_425 = arith.maximumf %add3A_422, %max3A_424 : vector<64x192xf32>
    %sqrt3A_426 = math.sqrt %max3A_425 : vector<64x192xf32>
    %max3A_427 = arith.constant 9.99999993E-9 : f32
    %max3A_428 = vector.broadcast %max3A_427 : f32 to vector<64x192xf32>
    %max3A_429 = arith.maximumf %sqrt3A_426, %max3A_428 : vector<64x192xf32>
    %mul3A_430 = vector.broadcast %max3A_374 : vector<64x1xf32> to vector<64x192xf32>
    %mul3A_431 = arith.mulf %mul3A_430, %max3A_429 : vector<64x192xf32>
    %div3A_432 = arith.divf %add3A_415, %mul3A_431 : vector<64x192xf32>
    %sub3A_433 = arith.subf %dot_general3A_151, %dot_general3A_362 : vector<64x192xf32>
    %sub3A_434 = vector.broadcast %broadcast_in_dim3A_358 : vector<64x1xf32> to vector<64x192xf32>
    %sub3A_435 = arith.subf %sub3A_433, %sub3A_434 : vector<64x192xf32>
    %add3A_436 = vector.broadcast %broadcast_in_dim3A_350 : vector<64x1xf32> to vector<64x192xf32>
    %add3A_437 = arith.addf %sub3A_435, %add3A_436 : vector<64x192xf32>
    %mul3A_438 = arith.constant 2.000000e+00 : f32
    %mul3A_439 = vector.broadcast %mul3A_438 : f32 to vector<64x192xf32>
    %mul3A_440 = arith.mulf %mul3A_439, %dot_general3A_362 : vector<64x192xf32>
    %sub3A_441 = vector.broadcast %dot_general3A_147 : vector<1x192xf32> to vector<64x192xf32>
    %sub3A_442 = arith.subf %sub3A_441, %mul3A_440 : vector<64x192xf32>
    %add3A_443 = vector.broadcast %broadcast_in_dim3A_350 : vector<64x1xf32> to vector<64x192xf32>
    %add3A_444 = arith.addf %sub3A_442, %add3A_443 : vector<64x192xf32>
    %max3A_445 = arith.constant 0.000000e+00 : f32
    %max3A_446 = vector.broadcast %max3A_445 : f32 to vector<64x192xf32>
    %max3A_447 = arith.maximumf %add3A_444, %max3A_446 : vector<64x192xf32>
    %sqrt3A_448 = math.sqrt %max3A_447 : vector<64x192xf32>
    %max3A_449 = arith.constant 9.99999993E-9 : f32
    %max3A_450 = vector.broadcast %max3A_449 : f32 to vector<64x192xf32>
    %max3A_451 = arith.maximumf %sqrt3A_448, %max3A_450 : vector<64x192xf32>
    %mul3A_452 = vector.broadcast %max3A_386 : vector<64x1xf32> to vector<64x192xf32>
    %mul3A_453 = arith.mulf %mul3A_452, %max3A_451 : vector<64x192xf32>
    %div3A_454 = arith.divf %add3A_437, %mul3A_453 : vector<64x192xf32>
    %sub3A_455 = arith.subf %div3A_454, %div3A_432 : vector<64x192xf32>
    %abs3A_456 = math.absf %sub3A_455 : vector<64x192xf32>
    %reduce_sum3A_457 = vector.shape_cast %abs3A_456 : vector<64x192xf32> to vector<1x64x192xf32>
    %reduce_sum3A_458 = arith.constant dense<0.000000e+00> : vector<1xf32>
    %reduce_sum3A_459 = vector.multi_reduction <add>, %reduce_sum3A_457, %reduce_sum3A_458 [1, 2] : vector<1x64x192xf32> to vector<1xf32>
    %reduce_sum3A_460 = vector.shape_cast %reduce_sum3A_459 : vector<1xf32> to vector<1x1x1xf32>
    %reduce_sum3A_461 = vector.extract %reduce_sum3A_460[0, 0, 0] : f32 from vector<1x1x1xf32>
    %add3A_462 = arith.addf %add3A_410, %reduce_sum3A_461 : f32
    %sub3A_463 = vector.broadcast %broadcast_in_dim3A_354 : vector<64x1xf32> to vector<64x192xf32>
    %sub3A_464 = arith.subf %sub3A_463, %dot_general3A_149 : vector<64x192xf32>
    %sub3A_465 = arith.subf %sub3A_464, %dot_general3A_360 : vector<64x192xf32>
    %add3A_466 = vector.broadcast %dot_general3A_144 : vector<1x192xf32> to vector<64x192xf32>
    %add3A_467 = arith.addf %sub3A_465, %add3A_466 : vector<64x192xf32>
    %mul3A_468 = arith.constant 2.000000e+00 : f32
    %mul3A_469 = vector.broadcast %mul3A_468 : f32 to vector<64x192xf32>
    %mul3A_470 = arith.mulf %mul3A_469, %dot_general3A_360 : vector<64x192xf32>
    %sub3A_471 = vector.broadcast %broadcast_in_dim3A_350 : vector<64x1xf32> to vector<64x192xf32>
    %sub3A_472 = arith.subf %sub3A_471, %mul3A_470 : vector<64x192xf32>
    %add3A_473 = vector.broadcast %dot_general3A_144 : vector<1x192xf32> to vector<64x192xf32>
    %add3A_474 = arith.addf %sub3A_472, %add3A_473 : vector<64x192xf32>
    %max3A_475 = arith.constant 0.000000e+00 : f32
    %max3A_476 = vector.broadcast %max3A_475 : f32 to vector<64x192xf32>
    %max3A_477 = arith.maximumf %add3A_474, %max3A_476 : vector<64x192xf32>
    %sqrt3A_478 = math.sqrt %max3A_477 : vector<64x192xf32>
    %max3A_479 = arith.constant 9.99999993E-9 : f32
    %max3A_480 = vector.broadcast %max3A_479 : f32 to vector<64x192xf32>
    %max3A_481 = arith.maximumf %sqrt3A_478, %max3A_480 : vector<64x192xf32>
    %mul3A_482 = arith.mulf %max3A_161, %max3A_481 : vector<64x192xf32>
    %div3A_483 = arith.divf %add3A_467, %mul3A_482 : vector<64x192xf32>
    %sub3A_484 = vector.broadcast %broadcast_in_dim3A_358 : vector<64x1xf32> to vector<64x192xf32>
    %sub3A_485 = arith.subf %sub3A_484, %dot_general3A_151 : vector<64x192xf32>
    %sub3A_486 = arith.subf %sub3A_485, %dot_general3A_362 : vector<64x192xf32>
    %add3A_487 = vector.broadcast %dot_general3A_147 : vector<1x192xf32> to vector<64x192xf32>
    %add3A_488 = arith.addf %sub3A_486, %add3A_487 : vector<64x192xf32>
    %mul3A_489 = arith.constant 2.000000e+00 : f32
    %mul3A_490 = vector.broadcast %mul3A_489 : f32 to vector<64x192xf32>
    %mul3A_491 = arith.mulf %mul3A_490, %dot_general3A_362 : vector<64x192xf32>
    %sub3A_492 = vector.broadcast %broadcast_in_dim3A_350 : vector<64x1xf32> to vector<64x192xf32>
    %sub3A_493 = arith.subf %sub3A_492, %mul3A_491 : vector<64x192xf32>
    %add3A_494 = vector.broadcast %dot_general3A_147 : vector<1x192xf32> to vector<64x192xf32>
    %add3A_495 = arith.addf %sub3A_493, %add3A_494 : vector<64x192xf32>
    %max3A_496 = arith.constant 0.000000e+00 : f32
    %max3A_497 = vector.broadcast %max3A_496 : f32 to vector<64x192xf32>
    %max3A_498 = arith.maximumf %add3A_495, %max3A_497 : vector<64x192xf32>
    %sqrt3A_499 = math.sqrt %max3A_498 : vector<64x192xf32>
    %max3A_500 = arith.constant 9.99999993E-9 : f32
    %max3A_501 = vector.broadcast %max3A_500 : f32 to vector<64x192xf32>
    %max3A_502 = arith.maximumf %sqrt3A_499, %max3A_501 : vector<64x192xf32>
    %mul3A_503 = arith.mulf %max3A_175, %max3A_502 : vector<64x192xf32>
    %div3A_504 = arith.divf %add3A_488, %mul3A_503 : vector<64x192xf32>
    %sub3A_505 = arith.subf %div3A_504, %div3A_483 : vector<64x192xf32>
    %abs3A_506 = math.absf %sub3A_505 : vector<64x192xf32>
    %reduce_sum3A_507 = vector.shape_cast %abs3A_506 : vector<64x192xf32> to vector<1x64x192xf32>
    %reduce_sum3A_508 = arith.constant dense<0.000000e+00> : vector<1xf32>
    %reduce_sum3A_509 = vector.multi_reduction <add>, %reduce_sum3A_507, %reduce_sum3A_508 [1, 2] : vector<1x64x192xf32> to vector<1xf32>
    %reduce_sum3A_510 = vector.shape_cast %reduce_sum3A_509 : vector<1xf32> to vector<1x1x1xf32>
    %reduce_sum3A_511 = vector.extract %reduce_sum3A_510[0, 0, 0] : f32 from vector<1x1x1xf32>
    %add3A_512 = arith.addf %add3A_462, %reduce_sum3A_511 : f32
    %get3A_513 = arith.constant 128 : index
    %get3A_514 = arith.constant 0 : index
    %get3A_515 = vector.load %arg2[%get3A_513, %get3A_514] : memref<256x256xf32, #tpu.memory_space<vmem>>, vector<64x256xf32>
    %mul3A_516 = arith.mulf %get3A_515, %get3A_515 : vector<64x256xf32>
    %reduce_sum3A_517 = arith.constant dense<0.000000e+00> : vector<64xf32>
    %reduce_sum3A_518 = vector.multi_reduction <add>, %mul3A_516, %reduce_sum3A_517 [1] : vector<64x256xf32> to vector<64xf32>
    %broadcast_in_dim3A_519 = vector.shape_cast %reduce_sum3A_518 : vector<64xf32> to vector<64x1xf32>
    %mul3A_520 = arith.mulf %concatenate3A, %get3A_515 : vector<64x256xf32>
    %reduce_sum3A_521 = arith.constant dense<0.000000e+00> : vector<64xf32>
    %reduce_sum3A_522 = vector.multi_reduction <add>, %mul3A_520, %reduce_sum3A_521 [1] : vector<64x256xf32> to vector<64xf32>
    %broadcast_in_dim3A_523 = vector.shape_cast %reduce_sum3A_522 : vector<64xf32> to vector<64x1xf32>
    %mul3A_524 = arith.mulf %concatenate3A_96, %get3A_515 : vector<64x256xf32>
    %reduce_sum3A_525 = arith.constant dense<0.000000e+00> : vector<64xf32>
    %reduce_sum3A_526 = vector.multi_reduction <add>, %mul3A_524, %reduce_sum3A_525 [1] : vector<64x256xf32> to vector<64xf32>
    %broadcast_in_dim3A_527 = vector.shape_cast %reduce_sum3A_526 : vector<64xf32> to vector<64x1xf32>
    %dot_general3A_528 = arith.constant dense<0.000000e+00> : vector<64x192xf32>
    %dot_general3A_529 = tpu.matmul %get3A_515, %concatenate3A_115, %dot_general3A_528 {dimension_numbers = #tpu.dot_dimension_numbers<[1], [1], [0], [0], [0, 0, 1, 0], [], []>, transpose_lhs_hint = false} : vector<64x256xf32>, vector<192x256xf32>, vector<64x192xf32> -> vector<64x192xf32>
    %dot_general3A_530 = arith.constant dense<0.000000e+00> : vector<64x192xf32>
    %dot_general3A_531 = tpu.matmul %get3A_515, %concatenate3A_134, %dot_general3A_530 {dimension_numbers = #tpu.dot_dimension_numbers<[1], [1], [0], [0], [0, 0, 1, 0], [], []>, transpose_lhs_hint = false} : vector<64x256xf32>, vector<192x256xf32>, vector<64x192xf32> -> vector<64x192xf32>
    %mul3A_532 = arith.constant 2.000000e+00 : f32
    %mul3A_533 = vector.broadcast %mul3A_532 : f32 to vector<64x1xf32>
    %mul3A_534 = arith.mulf %mul3A_533, %broadcast_in_dim3A_523 : vector<64x1xf32>
    %sub3A_535 = arith.subf %broadcast_in_dim3A_519, %mul3A_534 : vector<64x1xf32>
    %add3A_536 = arith.addf %sub3A_535, %broadcast_in_dim3A_136 : vector<64x1xf32>
    %max3A_537 = arith.constant 0.000000e+00 : f32
    %max3A_538 = vector.broadcast %max3A_537 : f32 to vector<64x1xf32>
    %max3A_539 = arith.maximumf %add3A_536, %max3A_538 : vector<64x1xf32>
    %sqrt3A_540 = math.sqrt %max3A_539 : vector<64x1xf32>
    %max3A_541 = arith.constant 9.99999993E-9 : f32
    %max3A_542 = vector.broadcast %max3A_541 : f32 to vector<64x1xf32>
    %max3A_543 = arith.maximumf %sqrt3A_540, %max3A_542 : vector<64x1xf32>
    %mul3A_544 = arith.constant 2.000000e+00 : f32
    %mul3A_545 = vector.broadcast %mul3A_544 : f32 to vector<64x1xf32>
    %mul3A_546 = arith.mulf %mul3A_545, %broadcast_in_dim3A_527 : vector<64x1xf32>
    %sub3A_547 = arith.subf %broadcast_in_dim3A_519, %mul3A_546 : vector<64x1xf32>
    %add3A_548 = arith.addf %sub3A_547, %broadcast_in_dim3A_140 : vector<64x1xf32>
    %max3A_549 = arith.constant 0.000000e+00 : f32
    %max3A_550 = vector.broadcast %max3A_549 : f32 to vector<64x1xf32>
    %max3A_551 = arith.maximumf %add3A_548, %max3A_550 : vector<64x1xf32>
    %sqrt3A_552 = math.sqrt %max3A_551 : vector<64x1xf32>
    %max3A_553 = arith.constant 9.99999993E-9 : f32
    %max3A_554 = vector.broadcast %max3A_553 : f32 to vector<64x1xf32>
    %max3A_555 = arith.maximumf %sqrt3A_552, %max3A_554 : vector<64x1xf32>
    %sub3A_556 = arith.subf %dot_general3A_529, %dot_general3A_149 : vector<64x192xf32>
    %sub3A_557 = vector.broadcast %broadcast_in_dim3A_523 : vector<64x1xf32> to vector<64x192xf32>
    %sub3A_558 = arith.subf %sub3A_556, %sub3A_557 : vector<64x192xf32>
    %add3A_559 = vector.broadcast %broadcast_in_dim3A_136 : vector<64x1xf32> to vector<64x192xf32>
    %add3A_560 = arith.addf %sub3A_558, %add3A_559 : vector<64x192xf32>
    %mul3A_561 = vector.broadcast %max3A_543 : vector<64x1xf32> to vector<64x192xf32>
    %mul3A_562 = arith.mulf %max3A_161, %mul3A_561 : vector<64x192xf32>
    %div3A_563 = arith.divf %add3A_560, %mul3A_562 : vector<64x192xf32>
    %sub3A_564 = arith.subf %dot_general3A_531, %dot_general3A_151 : vector<64x192xf32>
    %sub3A_565 = vector.broadcast %broadcast_in_dim3A_527 : vector<64x1xf32> to vector<64x192xf32>
    %sub3A_566 = arith.subf %sub3A_564, %sub3A_565 : vector<64x192xf32>
    %add3A_567 = vector.broadcast %broadcast_in_dim3A_140 : vector<64x1xf32> to vector<64x192xf32>
    %add3A_568 = arith.addf %sub3A_566, %add3A_567 : vector<64x192xf32>
    %mul3A_569 = vector.broadcast %max3A_555 : vector<64x1xf32> to vector<64x192xf32>
    %mul3A_570 = arith.mulf %max3A_175, %mul3A_569 : vector<64x192xf32>
    %div3A_571 = arith.divf %add3A_568, %mul3A_570 : vector<64x192xf32>
    %sub3A_572 = arith.subf %div3A_571, %div3A_563 : vector<64x192xf32>
    %abs3A_573 = math.absf %sub3A_572 : vector<64x192xf32>
    %reduce_sum3A_574 = vector.shape_cast %abs3A_573 : vector<64x192xf32> to vector<1x64x192xf32>
    %reduce_sum3A_575 = arith.constant dense<0.000000e+00> : vector<1xf32>
    %reduce_sum3A_576 = vector.multi_reduction <add>, %reduce_sum3A_574, %reduce_sum3A_575 [1, 2] : vector<1x64x192xf32> to vector<1xf32>
    %reduce_sum3A_577 = vector.shape_cast %reduce_sum3A_576 : vector<1xf32> to vector<1x1x1xf32>
    %reduce_sum3A_578 = vector.extract %reduce_sum3A_577[0, 0, 0] : f32 from vector<1x1x1xf32>
    %add3A_579 = arith.addf %add3A_512, %reduce_sum3A_578 : f32
    %sub3A_580 = arith.subf %dot_general3A_149, %dot_general3A_529 : vector<64x192xf32>
    %sub3A_581 = vector.broadcast %broadcast_in_dim3A_523 : vector<64x1xf32> to vector<64x192xf32>
    %sub3A_582 = arith.subf %sub3A_580, %sub3A_581 : vector<64x192xf32>
    %add3A_583 = vector.broadcast %broadcast_in_dim3A_519 : vector<64x1xf32> to vector<64x192xf32>
    %add3A_584 = arith.addf %sub3A_582, %add3A_583 : vector<64x192xf32>
    %mul3A_585 = arith.constant 2.000000e+00 : f32
    %mul3A_586 = vector.broadcast %mul3A_585 : f32 to vector<64x192xf32>
    %mul3A_587 = arith.mulf %mul3A_586, %dot_general3A_529 : vector<64x192xf32>
    %sub3A_588 = vector.broadcast %dot_general3A_144 : vector<1x192xf32> to vector<64x192xf32>
    %sub3A_589 = arith.subf %sub3A_588, %mul3A_587 : vector<64x192xf32>
    %add3A_590 = vector.broadcast %broadcast_in_dim3A_519 : vector<64x1xf32> to vector<64x192xf32>
    %add3A_591 = arith.addf %sub3A_589, %add3A_590 : vector<64x192xf32>
    %max3A_592 = arith.constant 0.000000e+00 : f32
    %max3A_593 = vector.broadcast %max3A_592 : f32 to vector<64x192xf32>
    %max3A_594 = arith.maximumf %add3A_591, %max3A_593 : vector<64x192xf32>
    %sqrt3A_595 = math.sqrt %max3A_594 : vector<64x192xf32>
    %max3A_596 = arith.constant 9.99999993E-9 : f32
    %max3A_597 = vector.broadcast %max3A_596 : f32 to vector<64x192xf32>
    %max3A_598 = arith.maximumf %sqrt3A_595, %max3A_597 : vector<64x192xf32>
    %mul3A_599 = vector.broadcast %max3A_543 : vector<64x1xf32> to vector<64x192xf32>
    %mul3A_600 = arith.mulf %mul3A_599, %max3A_598 : vector<64x192xf32>
    %div3A_601 = arith.divf %add3A_584, %mul3A_600 : vector<64x192xf32>
    %sub3A_602 = arith.subf %dot_general3A_151, %dot_general3A_531 : vector<64x192xf32>
    %sub3A_603 = vector.broadcast %broadcast_in_dim3A_527 : vector<64x1xf32> to vector<64x192xf32>
    %sub3A_604 = arith.subf %sub3A_602, %sub3A_603 : vector<64x192xf32>
    %add3A_605 = vector.broadcast %broadcast_in_dim3A_519 : vector<64x1xf32> to vector<64x192xf32>
    %add3A_606 = arith.addf %sub3A_604, %add3A_605 : vector<64x192xf32>
    %mul3A_607 = arith.constant 2.000000e+00 : f32
    %mul3A_608 = vector.broadcast %mul3A_607 : f32 to vector<64x192xf32>
    %mul3A_609 = arith.mulf %mul3A_608, %dot_general3A_531 : vector<64x192xf32>
    %sub3A_610 = vector.broadcast %dot_general3A_147 : vector<1x192xf32> to vector<64x192xf32>
    %sub3A_611 = arith.subf %sub3A_610, %mul3A_609 : vector<64x192xf32>
    %add3A_612 = vector.broadcast %broadcast_in_dim3A_519 : vector<64x1xf32> to vector<64x192xf32>
    %add3A_613 = arith.addf %sub3A_611, %add3A_612 : vector<64x192xf32>
    %max3A_614 = arith.constant 0.000000e+00 : f32
    %max3A_615 = vector.broadcast %max3A_614 : f32 to vector<64x192xf32>
    %max3A_616 = arith.maximumf %add3A_613, %max3A_615 : vector<64x192xf32>
    %sqrt3A_617 = math.sqrt %max3A_616 : vector<64x192xf32>
    %max3A_618 = arith.constant 9.99999993E-9 : f32
    %max3A_619 = vector.broadcast %max3A_618 : f32 to vector<64x192xf32>
    %max3A_620 = arith.maximumf %sqrt3A_617, %max3A_619 : vector<64x192xf32>
    %mul3A_621 = vector.broadcast %max3A_555 : vector<64x1xf32> to vector<64x192xf32>
    %mul3A_622 = arith.mulf %mul3A_621, %max3A_620 : vector<64x192xf32>
    %div3A_623 = arith.divf %add3A_606, %mul3A_622 : vector<64x192xf32>
    %sub3A_624 = arith.subf %div3A_623, %div3A_601 : vector<64x192xf32>
    %abs3A_625 = math.absf %sub3A_624 : vector<64x192xf32>
    %reduce_sum3A_626 = vector.shape_cast %abs3A_625 : vector<64x192xf32> to vector<1x64x192xf32>
    %reduce_sum3A_627 = arith.constant dense<0.000000e+00> : vector<1xf32>
    %reduce_sum3A_628 = vector.multi_reduction <add>, %reduce_sum3A_626, %reduce_sum3A_627 [1, 2] : vector<1x64x192xf32> to vector<1xf32>
    %reduce_sum3A_629 = vector.shape_cast %reduce_sum3A_628 : vector<1xf32> to vector<1x1x1xf32>
    %reduce_sum3A_630 = vector.extract %reduce_sum3A_629[0, 0, 0] : f32 from vector<1x1x1xf32>
    %add3A_631 = arith.addf %add3A_579, %reduce_sum3A_630 : f32
    %sub3A_632 = vector.broadcast %broadcast_in_dim3A_523 : vector<64x1xf32> to vector<64x192xf32>
    %sub3A_633 = arith.subf %sub3A_632, %dot_general3A_149 : vector<64x192xf32>
    %sub3A_634 = arith.subf %sub3A_633, %dot_general3A_529 : vector<64x192xf32>
    %add3A_635 = vector.broadcast %dot_general3A_144 : vector<1x192xf32> to vector<64x192xf32>
    %add3A_636 = arith.addf %sub3A_634, %add3A_635 : vector<64x192xf32>
    %mul3A_637 = arith.constant 2.000000e+00 : f32
    %mul3A_638 = vector.broadcast %mul3A_637 : f32 to vector<64x192xf32>
    %mul3A_639 = arith.mulf %mul3A_638, %dot_general3A_529 : vector<64x192xf32>
    %sub3A_640 = vector.broadcast %broadcast_in_dim3A_519 : vector<64x1xf32> to vector<64x192xf32>
    %sub3A_641 = arith.subf %sub3A_640, %mul3A_639 : vector<64x192xf32>
    %add3A_642 = vector.broadcast %dot_general3A_144 : vector<1x192xf32> to vector<64x192xf32>
    %add3A_643 = arith.addf %sub3A_641, %add3A_642 : vector<64x192xf32>
    %max3A_644 = arith.constant 0.000000e+00 : f32
    %max3A_645 = vector.broadcast %max3A_644 : f32 to vector<64x192xf32>
    %max3A_646 = arith.maximumf %add3A_643, %max3A_645 : vector<64x192xf32>
    %sqrt3A_647 = math.sqrt %max3A_646 : vector<64x192xf32>
    %max3A_648 = arith.constant 9.99999993E-9 : f32
    %max3A_649 = vector.broadcast %max3A_648 : f32 to vector<64x192xf32>
    %max3A_650 = arith.maximumf %sqrt3A_647, %max3A_649 : vector<64x192xf32>
    %mul3A_651 = arith.mulf %max3A_161, %max3A_650 : vector<64x192xf32>
    %div3A_652 = arith.divf %add3A_636, %mul3A_651 : vector<64x192xf32>
    %sub3A_653 = vector.broadcast %broadcast_in_dim3A_527 : vector<64x1xf32> to vector<64x192xf32>
    %sub3A_654 = arith.subf %sub3A_653, %dot_general3A_151 : vector<64x192xf32>
    %sub3A_655 = arith.subf %sub3A_654, %dot_general3A_531 : vector<64x192xf32>
    %add3A_656 = vector.broadcast %dot_general3A_147 : vector<1x192xf32> to vector<64x192xf32>
    %add3A_657 = arith.addf %sub3A_655, %add3A_656 : vector<64x192xf32>
    %mul3A_658 = arith.constant 2.000000e+00 : f32
    %mul3A_659 = vector.broadcast %mul3A_658 : f32 to vector<64x192xf32>
    %mul3A_660 = arith.mulf %mul3A_659, %dot_general3A_531 : vector<64x192xf32>
    %sub3A_661 = vector.broadcast %broadcast_in_dim3A_519 : vector<64x1xf32> to vector<64x192xf32>
    %sub3A_662 = arith.subf %sub3A_661, %mul3A_660 : vector<64x192xf32>
    %add3A_663 = vector.broadcast %dot_general3A_147 : vector<1x192xf32> to vector<64x192xf32>
    %add3A_664 = arith.addf %sub3A_662, %add3A_663 : vector<64x192xf32>
    %max3A_665 = arith.constant 0.000000e+00 : f32
    %max3A_666 = vector.broadcast %max3A_665 : f32 to vector<64x192xf32>
    %max3A_667 = arith.maximumf %add3A_664, %max3A_666 : vector<64x192xf32>
    %sqrt3A_668 = math.sqrt %max3A_667 : vector<64x192xf32>
    %max3A_669 = arith.constant 9.99999993E-9 : f32
    %max3A_670 = vector.broadcast %max3A_669 : f32 to vector<64x192xf32>
    %max3A_671 = arith.maximumf %sqrt3A_668, %max3A_670 : vector<64x192xf32>
    %mul3A_672 = arith.mulf %max3A_175, %max3A_671 : vector<64x192xf32>
    %div3A_673 = arith.divf %add3A_657, %mul3A_672 : vector<64x192xf32>
    %sub3A_674 = arith.subf %div3A_673, %div3A_652 : vector<64x192xf32>
    %abs3A_675 = math.absf %sub3A_674 : vector<64x192xf32>
    %reduce_sum3A_676 = vector.shape_cast %abs3A_675 : vector<64x192xf32> to vector<1x64x192xf32>
    %reduce_sum3A_677 = arith.constant dense<0.000000e+00> : vector<1xf32>
    %reduce_sum3A_678 = vector.multi_reduction <add>, %reduce_sum3A_676, %reduce_sum3A_677 [1, 2] : vector<1x64x192xf32> to vector<1xf32>
    %reduce_sum3A_679 = vector.shape_cast %reduce_sum3A_678 : vector<1xf32> to vector<1x1x1xf32>
    %reduce_sum3A_680 = vector.extract %reduce_sum3A_679[0, 0, 0] : f32 from vector<1x1x1xf32>
    %add3A_681 = arith.addf %add3A_631, %reduce_sum3A_680 : f32
    %get3A_682 = arith.constant 192 : index
    %get3A_683 = arith.constant 0 : index
    %get3A_684 = vector.load %arg2[%get3A_682, %get3A_683] : memref<256x256xf32, #tpu.memory_space<vmem>>, vector<64x256xf32>
    %mul3A_685 = arith.mulf %get3A_684, %get3A_684 : vector<64x256xf32>
    %reduce_sum3A_686 = arith.constant dense<0.000000e+00> : vector<64xf32>
    %reduce_sum3A_687 = vector.multi_reduction <add>, %mul3A_685, %reduce_sum3A_686 [1] : vector<64x256xf32> to vector<64xf32>
    %broadcast_in_dim3A_688 = vector.shape_cast %reduce_sum3A_687 : vector<64xf32> to vector<64x1xf32>
    %mul3A_689 = arith.mulf %concatenate3A, %get3A_684 : vector<64x256xf32>
    %reduce_sum3A_690 = arith.constant dense<0.000000e+00> : vector<64xf32>
    %reduce_sum3A_691 = vector.multi_reduction <add>, %mul3A_689, %reduce_sum3A_690 [1] : vector<64x256xf32> to vector<64xf32>
    %broadcast_in_dim3A_692 = vector.shape_cast %reduce_sum3A_691 : vector<64xf32> to vector<64x1xf32>
    %mul3A_693 = arith.mulf %concatenate3A_96, %get3A_684 : vector<64x256xf32>
    %reduce_sum3A_694 = arith.constant dense<0.000000e+00> : vector<64xf32>
    %reduce_sum3A_695 = vector.multi_reduction <add>, %mul3A_693, %reduce_sum3A_694 [1] : vector<64x256xf32> to vector<64xf32>
    %broadcast_in_dim3A_696 = vector.shape_cast %reduce_sum3A_695 : vector<64xf32> to vector<64x1xf32>
    %dot_general3A_697 = arith.constant dense<0.000000e+00> : vector<64x192xf32>
    %dot_general3A_698 = tpu.matmul %get3A_684, %concatenate3A_115, %dot_general3A_697 {dimension_numbers = #tpu.dot_dimension_numbers<[1], [1], [0], [0], [0, 0, 1, 0], [], []>, transpose_lhs_hint = false} : vector<64x256xf32>, vector<192x256xf32>, vector<64x192xf32> -> vector<64x192xf32>
    %dot_general3A_699 = arith.constant dense<0.000000e+00> : vector<64x192xf32>
    %dot_general3A_700 = tpu.matmul %get3A_684, %concatenate3A_134, %dot_general3A_699 {dimension_numbers = #tpu.dot_dimension_numbers<[1], [1], [0], [0], [0, 0, 1, 0], [], []>, transpose_lhs_hint = false} : vector<64x256xf32>, vector<192x256xf32>, vector<64x192xf32> -> vector<64x192xf32>
    %mul3A_701 = arith.constant 2.000000e+00 : f32
    %mul3A_702 = vector.broadcast %mul3A_701 : f32 to vector<64x1xf32>
    %mul3A_703 = arith.mulf %mul3A_702, %broadcast_in_dim3A_692 : vector<64x1xf32>
    %sub3A_704 = arith.subf %broadcast_in_dim3A_688, %mul3A_703 : vector<64x1xf32>
    %add3A_705 = arith.addf %sub3A_704, %broadcast_in_dim3A_136 : vector<64x1xf32>
    %max3A_706 = arith.constant 0.000000e+00 : f32
    %max3A_707 = vector.broadcast %max3A_706 : f32 to vector<64x1xf32>
    %max3A_708 = arith.maximumf %add3A_705, %max3A_707 : vector<64x1xf32>
    %sqrt3A_709 = math.sqrt %max3A_708 : vector<64x1xf32>
    %max3A_710 = arith.constant 9.99999993E-9 : f32
    %max3A_711 = vector.broadcast %max3A_710 : f32 to vector<64x1xf32>
    %max3A_712 = arith.maximumf %sqrt3A_709, %max3A_711 : vector<64x1xf32>
    %mul3A_713 = arith.constant 2.000000e+00 : f32
    %mul3A_714 = vector.broadcast %mul3A_713 : f32 to vector<64x1xf32>
    %mul3A_715 = arith.mulf %mul3A_714, %broadcast_in_dim3A_696 : vector<64x1xf32>
    %sub3A_716 = arith.subf %broadcast_in_dim3A_688, %mul3A_715 : vector<64x1xf32>
    %add3A_717 = arith.addf %sub3A_716, %broadcast_in_dim3A_140 : vector<64x1xf32>
    %max3A_718 = arith.constant 0.000000e+00 : f32
    %max3A_719 = vector.broadcast %max3A_718 : f32 to vector<64x1xf32>
    %max3A_720 = arith.maximumf %add3A_717, %max3A_719 : vector<64x1xf32>
    %sqrt3A_721 = math.sqrt %max3A_720 : vector<64x1xf32>
    %max3A_722 = arith.constant 9.99999993E-9 : f32
    %max3A_723 = vector.broadcast %max3A_722 : f32 to vector<64x1xf32>
    %max3A_724 = arith.maximumf %sqrt3A_721, %max3A_723 : vector<64x1xf32>
    %sub3A_725 = arith.subf %dot_general3A_698, %dot_general3A_149 : vector<64x192xf32>
    %sub3A_726 = vector.broadcast %broadcast_in_dim3A_692 : vector<64x1xf32> to vector<64x192xf32>
    %sub3A_727 = arith.subf %sub3A_725, %sub3A_726 : vector<64x192xf32>
    %add3A_728 = vector.broadcast %broadcast_in_dim3A_136 : vector<64x1xf32> to vector<64x192xf32>
    %add3A_729 = arith.addf %sub3A_727, %add3A_728 : vector<64x192xf32>
    %mul3A_730 = vector.broadcast %max3A_712 : vector<64x1xf32> to vector<64x192xf32>
    %mul3A_731 = arith.mulf %max3A_161, %mul3A_730 : vector<64x192xf32>
    %div3A_732 = arith.divf %add3A_729, %mul3A_731 : vector<64x192xf32>
    %sub3A_733 = arith.subf %dot_general3A_700, %dot_general3A_151 : vector<64x192xf32>
    %sub3A_734 = vector.broadcast %broadcast_in_dim3A_696 : vector<64x1xf32> to vector<64x192xf32>
    %sub3A_735 = arith.subf %sub3A_733, %sub3A_734 : vector<64x192xf32>
    %add3A_736 = vector.broadcast %broadcast_in_dim3A_140 : vector<64x1xf32> to vector<64x192xf32>
    %add3A_737 = arith.addf %sub3A_735, %add3A_736 : vector<64x192xf32>
    %mul3A_738 = vector.broadcast %max3A_724 : vector<64x1xf32> to vector<64x192xf32>
    %mul3A_739 = arith.mulf %max3A_175, %mul3A_738 : vector<64x192xf32>
    %div3A_740 = arith.divf %add3A_737, %mul3A_739 : vector<64x192xf32>
    %sub3A_741 = arith.subf %div3A_740, %div3A_732 : vector<64x192xf32>
    %abs3A_742 = math.absf %sub3A_741 : vector<64x192xf32>
    %reduce_sum3A_743 = vector.shape_cast %abs3A_742 : vector<64x192xf32> to vector<1x64x192xf32>
    %reduce_sum3A_744 = arith.constant dense<0.000000e+00> : vector<1xf32>
    %reduce_sum3A_745 = vector.multi_reduction <add>, %reduce_sum3A_743, %reduce_sum3A_744 [1, 2] : vector<1x64x192xf32> to vector<1xf32>
    %reduce_sum3A_746 = vector.shape_cast %reduce_sum3A_745 : vector<1xf32> to vector<1x1x1xf32>
    %reduce_sum3A_747 = vector.extract %reduce_sum3A_746[0, 0, 0] : f32 from vector<1x1x1xf32>
    %add3A_748 = arith.addf %add3A_681, %reduce_sum3A_747 : f32
    %sub3A_749 = arith.subf %dot_general3A_149, %dot_general3A_698 : vector<64x192xf32>
    %sub3A_750 = vector.broadcast %broadcast_in_dim3A_692 : vector<64x1xf32> to vector<64x192xf32>
    %sub3A_751 = arith.subf %sub3A_749, %sub3A_750 : vector<64x192xf32>
    %add3A_752 = vector.broadcast %broadcast_in_dim3A_688 : vector<64x1xf32> to vector<64x192xf32>
    %add3A_753 = arith.addf %sub3A_751, %add3A_752 : vector<64x192xf32>
    %mul3A_754 = arith.constant 2.000000e+00 : f32
    %mul3A_755 = vector.broadcast %mul3A_754 : f32 to vector<64x192xf32>
    %mul3A_756 = arith.mulf %mul3A_755, %dot_general3A_698 : vector<64x192xf32>
    %sub3A_757 = vector.broadcast %dot_general3A_144 : vector<1x192xf32> to vector<64x192xf32>
    %sub3A_758 = arith.subf %sub3A_757, %mul3A_756 : vector<64x192xf32>
    %add3A_759 = vector.broadcast %broadcast_in_dim3A_688 : vector<64x1xf32> to vector<64x192xf32>
    %add3A_760 = arith.addf %sub3A_758, %add3A_759 : vector<64x192xf32>
    %max3A_761 = arith.constant 0.000000e+00 : f32
    %max3A_762 = vector.broadcast %max3A_761 : f32 to vector<64x192xf32>
    %max3A_763 = arith.maximumf %add3A_760, %max3A_762 : vector<64x192xf32>
    %sqrt3A_764 = math.sqrt %max3A_763 : vector<64x192xf32>
    %max3A_765 = arith.constant 9.99999993E-9 : f32
    %max3A_766 = vector.broadcast %max3A_765 : f32 to vector<64x192xf32>
    %max3A_767 = arith.maximumf %sqrt3A_764, %max3A_766 : vector<64x192xf32>
    %mul3A_768 = vector.broadcast %max3A_712 : vector<64x1xf32> to vector<64x192xf32>
    %mul3A_769 = arith.mulf %mul3A_768, %max3A_767 : vector<64x192xf32>
    %div3A_770 = arith.divf %add3A_753, %mul3A_769 : vector<64x192xf32>
    %sub3A_771 = arith.subf %dot_general3A_151, %dot_general3A_700 : vector<64x192xf32>
    %sub3A_772 = vector.broadcast %broadcast_in_dim3A_696 : vector<64x1xf32> to vector<64x192xf32>
    %sub3A_773 = arith.subf %sub3A_771, %sub3A_772 : vector<64x192xf32>
    %add3A_774 = vector.broadcast %broadcast_in_dim3A_688 : vector<64x1xf32> to vector<64x192xf32>
    %add3A_775 = arith.addf %sub3A_773, %add3A_774 : vector<64x192xf32>
    %mul3A_776 = arith.constant 2.000000e+00 : f32
    %mul3A_777 = vector.broadcast %mul3A_776 : f32 to vector<64x192xf32>
    %mul3A_778 = arith.mulf %mul3A_777, %dot_general3A_700 : vector<64x192xf32>
    %sub3A_779 = vector.broadcast %dot_general3A_147 : vector<1x192xf32> to vector<64x192xf32>
    %sub3A_780 = arith.subf %sub3A_779, %mul3A_778 : vector<64x192xf32>
    %add3A_781 = vector.broadcast %broadcast_in_dim3A_688 : vector<64x1xf32> to vector<64x192xf32>
    %add3A_782 = arith.addf %sub3A_780, %add3A_781 : vector<64x192xf32>
    %max3A_783 = arith.constant 0.000000e+00 : f32
    %max3A_784 = vector.broadcast %max3A_783 : f32 to vector<64x192xf32>
    %max3A_785 = arith.maximumf %add3A_782, %max3A_784 : vector<64x192xf32>
    %sqrt3A_786 = math.sqrt %max3A_785 : vector<64x192xf32>
    %max3A_787 = arith.constant 9.99999993E-9 : f32
    %max3A_788 = vector.broadcast %max3A_787 : f32 to vector<64x192xf32>
    %max3A_789 = arith.maximumf %sqrt3A_786, %max3A_788 : vector<64x192xf32>
    %mul3A_790 = vector.broadcast %max3A_724 : vector<64x1xf32> to vector<64x192xf32>
    %mul3A_791 = arith.mulf %mul3A_790, %max3A_789 : vector<64x192xf32>
    %div3A_792 = arith.divf %add3A_775, %mul3A_791 : vector<64x192xf32>
    %sub3A_793 = arith.subf %div3A_792, %div3A_770 : vector<64x192xf32>
    %abs3A_794 = math.absf %sub3A_793 : vector<64x192xf32>
    %reduce_sum3A_795 = vector.shape_cast %abs3A_794 : vector<64x192xf32> to vector<1x64x192xf32>
    %reduce_sum3A_796 = arith.constant dense<0.000000e+00> : vector<1xf32>
    %reduce_sum3A_797 = vector.multi_reduction <add>, %reduce_sum3A_795, %reduce_sum3A_796 [1, 2] : vector<1x64x192xf32> to vector<1xf32>
    %reduce_sum3A_798 = vector.shape_cast %reduce_sum3A_797 : vector<1xf32> to vector<1x1x1xf32>
    %reduce_sum3A_799 = vector.extract %reduce_sum3A_798[0, 0, 0] : f32 from vector<1x1x1xf32>
    %add3A_800 = arith.addf %add3A_748, %reduce_sum3A_799 : f32
    %sub3A_801 = vector.broadcast %broadcast_in_dim3A_692 : vector<64x1xf32> to vector<64x192xf32>
    %sub3A_802 = arith.subf %sub3A_801, %dot_general3A_149 : vector<64x192xf32>
    %sub3A_803 = arith.subf %sub3A_802, %dot_general3A_698 : vector<64x192xf32>
    %add3A_804 = vector.broadcast %dot_general3A_144 : vector<1x192xf32> to vector<64x192xf32>
    %add3A_805 = arith.addf %sub3A_803, %add3A_804 : vector<64x192xf32>
    %mul3A_806 = arith.constant 2.000000e+00 : f32
    %mul3A_807 = vector.broadcast %mul3A_806 : f32 to vector<64x192xf32>
    %mul3A_808 = arith.mulf %mul3A_807, %dot_general3A_698 : vector<64x192xf32>
    %sub3A_809 = vector.broadcast %broadcast_in_dim3A_688 : vector<64x1xf32> to vector<64x192xf32>
    %sub3A_810 = arith.subf %sub3A_809, %mul3A_808 : vector<64x192xf32>
    %add3A_811 = vector.broadcast %dot_general3A_144 : vector<1x192xf32> to vector<64x192xf32>
    %add3A_812 = arith.addf %sub3A_810, %add3A_811 : vector<64x192xf32>
    %max3A_813 = arith.constant 0.000000e+00 : f32
    %max3A_814 = vector.broadcast %max3A_813 : f32 to vector<64x192xf32>
    %max3A_815 = arith.maximumf %add3A_812, %max3A_814 : vector<64x192xf32>
    %sqrt3A_816 = math.sqrt %max3A_815 : vector<64x192xf32>
    %max3A_817 = arith.constant 9.99999993E-9 : f32
    %max3A_818 = vector.broadcast %max3A_817 : f32 to vector<64x192xf32>
    %max3A_819 = arith.maximumf %sqrt3A_816, %max3A_818 : vector<64x192xf32>
    %mul3A_820 = arith.mulf %max3A_161, %max3A_819 : vector<64x192xf32>
    %div3A_821 = arith.divf %add3A_805, %mul3A_820 : vector<64x192xf32>
    %sub3A_822 = vector.broadcast %broadcast_in_dim3A_696 : vector<64x1xf32> to vector<64x192xf32>
    %sub3A_823 = arith.subf %sub3A_822, %dot_general3A_151 : vector<64x192xf32>
    %sub3A_824 = arith.subf %sub3A_823, %dot_general3A_700 : vector<64x192xf32>
    %add3A_825 = vector.broadcast %dot_general3A_147 : vector<1x192xf32> to vector<64x192xf32>
    %add3A_826 = arith.addf %sub3A_824, %add3A_825 : vector<64x192xf32>
    %mul3A_827 = arith.constant 2.000000e+00 : f32
    %mul3A_828 = vector.broadcast %mul3A_827 : f32 to vector<64x192xf32>
    %mul3A_829 = arith.mulf %mul3A_828, %dot_general3A_700 : vector<64x192xf32>
    %sub3A_830 = vector.broadcast %broadcast_in_dim3A_688 : vector<64x1xf32> to vector<64x192xf32>
    %sub3A_831 = arith.subf %sub3A_830, %mul3A_829 : vector<64x192xf32>
    %add3A_832 = vector.broadcast %dot_general3A_147 : vector<1x192xf32> to vector<64x192xf32>
    %add3A_833 = arith.addf %sub3A_831, %add3A_832 : vector<64x192xf32>
    %max3A_834 = arith.constant 0.000000e+00 : f32
    %max3A_835 = vector.broadcast %max3A_834 : f32 to vector<64x192xf32>
    %max3A_836 = arith.maximumf %add3A_833, %max3A_835 : vector<64x192xf32>
    %sqrt3A_837 = math.sqrt %max3A_836 : vector<64x192xf32>
    %max3A_838 = arith.constant 9.99999993E-9 : f32
    %max3A_839 = vector.broadcast %max3A_838 : f32 to vector<64x192xf32>
    %max3A_840 = arith.maximumf %sqrt3A_837, %max3A_839 : vector<64x192xf32>
    %mul3A_841 = arith.mulf %max3A_175, %max3A_840 : vector<64x192xf32>
    %div3A_842 = arith.divf %add3A_826, %mul3A_841 : vector<64x192xf32>
    %sub3A_843 = arith.subf %div3A_842, %div3A_821 : vector<64x192xf32>
    %abs3A_844 = math.absf %sub3A_843 : vector<64x192xf32>
    %reduce_sum3A_845 = vector.shape_cast %abs3A_844 : vector<64x192xf32> to vector<1x64x192xf32>
    %reduce_sum3A_846 = arith.constant dense<0.000000e+00> : vector<1xf32>
    %reduce_sum3A_847 = vector.multi_reduction <add>, %reduce_sum3A_845, %reduce_sum3A_846 [1, 2] : vector<1x64x192xf32> to vector<1xf32>
    %reduce_sum3A_848 = vector.shape_cast %reduce_sum3A_847 : vector<1xf32> to vector<1x1x1xf32>
    %reduce_sum3A_849 = vector.extract %reduce_sum3A_848[0, 0, 0] : f32 from vector<1x1x1xf32>
    %add3A_850 = arith.addf %add3A_800, %reduce_sum3A_849 : f32
    %div3A_851 = arith.constant 4.915200e+04 : f32
    %div3A_852 = arith.divf %add3A_850, %div3A_851 : f32
    %broadcast_in_dim3A_853 = vector.broadcast %div3A_852 : f32 to vector<1x1xf32>
    %swap3A = arith.constant 0 : index
    %swap3A_854 = arith.constant 0 : index
    %swap3A_855 = vector.load %arg3[%swap3A, %swap3A_854] : memref<1x1xf32, #tpu.memory_space<vmem>>, vector<1x1xf32>
    tpu.vector_store %arg3[%swap3A, %swap3A_854], %broadcast_in_dim3A_853 {strides = array<i32>} : memref<1x1xf32, #tpu.memory_space<vmem>>, vector<1x1xf32>,
    return
  }
}

</mosaic_0001>

<sc_bundles>
// kernel: kernel.5.cloned.1.call-start
scs
__scs_entry_jumppad:
0x0: {  	(pc) =	sbr.rel $0x88, $3  }
0x1: {  	(tag) =	ssettag $0x0;
	lr =	simm.s32 $0x1  }
0x2: {  	[smem:$0x3F9F] =	sst lr;
	_ =	strace $0xD0000000  }
0x3: {  	_ = 	snop  }
0x4: {  	_ = 	snop  }
0x5: {  	_ = 	snop  }
0x6: {  	_ = 	snop  }
0x7: {  	_ = 	snop  }
__scs_overlays_trampoline_lowered:
0x8: {  	[smem:$0x3FAE] =	sst s0  }
0x9: {  	[smem:$0x3FAF] =	sst s1  }
0xa: {  	[smem:$0x3FB0] =	sst s2  }
0xb: {  	[smem:$0x3FB1] =	sst s3  }
0xc: {  	[smem:$0x3FB2] =	sst s4  }
0xd: {  	[smem:$0x3FB3] =	sst s5  }
0xe: {  	[smem:$0x3FB4] =	sst s6  }
0xf: {  	[smem:$0x3FB5] =	sst s7  }
0x10: {  	[smem:$0x3FB6] =	sst s8  }
0x11: {  	[smem:$0x3FB7] =	sst s9;
	s0 =	simm.s32 @!p0 $0x0  }
0x12: {  	s1 =	sld [smem:$0x3F9D];
	s0 =	simm.s32 @p0 $0x1  }
0x13: {  	[smem:$0x3FB8] =	sst s0;
	s0 =	simm.s32 @!p1 $0x0  }
0x14: {  	s2 =	sld [smem:$0x3F9C];
	s0 =	simm.s32 @p1 $0x1  }
0x15: {  	[smem:$0x3FB9] =	sst s0;
	s0 =	simm.s32 @!p2 $0x0  }
0x16: {  	s3 =	sld [smem:$0x3FDB];
	s0 =	simm.s32 @p2 $0x1  }
0x17: {  	s4 =	simm.s32 $0x1BF5;
	[smem:$0x3FBB] =	sst s0  }
0x18: {  	s0 =	sld [smem:$0x3F9E];
	_ =	swait.ge [sflag:s4], $0x0  }
0x19: {  	s7 =	sld [smem:$0x3F9F]  }
0x1a: {  	s8 =	sadd.s32 $0xFFFFE003, lr  }
0x1b: {  	s9 =	sadd.s32 $0xFFFFFEF7, lr;
	s5 =	simm.s32 $0xFFFFFFFF;
	p2 =	slt.u32 s8, $0xFFFFF086  }
0x1c: {  	p1 =	slt.u32 s9, $0xF7A;
	s5 =	simm.s32 @!p2 $0x0  }
0x1d: {  	s5 =	simm.s32 @p1 $0x1;
	p0 =	seq.s32 s7, s2  }
0x1e: {  	s7 =	smul.u32 @!p0 $0xF7A, s2;
	p2 =	seq.s32 @!p0 s5, $0x0  }
0x1f: {  	s9 =	smul.u32 $0xF7A, s1;
	s8 =	simm.s32 @!p0 $0x1BF5;
	p2 =	por !p2, p0  }
0x20: {  	[sflag:s8] =	ssyncset.s32 @!p0 $0xFFFFF086;
	s6 =	sadd.s32 @!p0 s3, s7;
	s7 =	simm.s32 @!p0 $0x108  }
0x21: {  	s3 =	sadd.s32 s3, s9;
	s6 =	sadd.s32 @!p0 $0x88, s6;
	s7 =	simm.s32 @p2 $0x1082  }
0x22: {  	[simem:s7], [sflag:s8] =	dma.local @!p0 [hbm:s6], $0xF7A  }
0x23: {  	s9 =	sor.u32 $0xD0000000, s2;
	s6 =	simm.s32 $0x108;
	_ =	swait.ge @!p0 [sflag:s8], $0x0  }
0x24: {  	s3 =	sadd.s32 $0x88, s3;
	s6 =	simm.s32 @!p1 $0x1082;
	[sflag:s4] =	ssyncset.s32 $0xFFFFF086  }
0x25: {  	[simem:s6], [sflag:s4] =	dma.local [hbm:s3], $0xF7A  }
0x26: {  	[smem:$0x3F9F] =	sst s1;
	(tag) =	ssettag s2;
	_ =	strace s9  }
0x27: {  	s1 =	sld [smem:$0x3FAF]  }
0x28: {  	s2 =	sld [smem:$0x3FB0]  }
0x29: {  	s4 =	sld [smem:$0x3FB2]  }
0x2a: {  	p0 =	seq.s32 s5, $0x0;
	s5 =	sld [smem:$0x3FB3]  }
0x2b: {  	s6 =	sld [smem:$0x3FB4]  }
0x2c: {  	s7 =	sld [smem:$0x3FB5]  }
0x2d: {  	s3 =	simm.s32 $0x108;
	s8 =	sld [smem:$0x3FB6]  }
0x2e: {  	s3 =	simm.s32 @!p0 $0x1082;
	s9 =	sld [smem:$0x3FB7]  }
0x2f: {  	lr =	sadd.s32 s0, s3;
	s0 =	sld [smem:$0x3FAE]  }
0x30: {  	s3 =	sld [smem:$0x3FB1]  }
0x31: {  	[smem:$0x3FBA] =	sst s10  }
0x32: {  	s10 =	sld [smem:$0x3FB8];
	_ =	sdelay $0x3  }
0x33: {  	p0 =	seq.s32 s10, $0x1;
	s10 =	sld [smem:$0x3FBA];
	_ =	sdelay $0x3  }
0x34: {  	[smem:$0x3FBA] =	sst s10  }
0x35: {  	s10 =	sld [smem:$0x3FB9];
	_ =	sdelay $0x3  }
0x36: {  	p1 =	seq.s32 s10, $0x1;
	s10 =	sld [smem:$0x3FBA];
	_ =	sdelay $0x3  }
0x37: {  	[smem:$0x3FBA] =	sst s10  }
0x38: {  	s10 =	sld [smem:$0x3FBB]  }
0x39: {  	_ = 	snop;
	(pc) =	sbr.ind lr, $3  }
0x3a: {  	_ = 	snop  }
0x3b: {  	_ = 	snop  }
0x3c: {  	p2 =	seq.s32 s10, $0x1;
	s10 =	sld [smem:$0x3FBA]  }
0x3d: {  	_ =	shalt  }
0x3e: {  	_ =	shalt  }
0x3f: {  	_ =	shalt  }
0x40: {  	_ =	shalt  }
0x41: {  	_ =	shalt  }
0x42: {  	_ =	shalt  }
0x43: {  	_ =	shalt  }
0x44: {  	_ =	shalt  }
0x45: {  	_ =	shalt  }
0x46: {  	_ =	shalt  }
0x47: {  	_ =	shalt  }
0x48: {  	_ =	shalt  }
0x49: {  	_ =	shalt  }
0x4a: {  	_ =	shalt  }
0x4b: {  	_ =	shalt  }
0x4c: {  	_ =	shalt  }
0x4d: {  	_ =	shalt  }
0x4e: {  	_ =	shalt  }
0x4f: {  	_ =	shalt  }
0x50: {  	_ =	shalt  }
0x51: {  	_ =	shalt  }
0x52: {  	_ =	shalt  }
0x53: {  	_ =	shalt  }
0x54: {  	_ =	shalt  }
0x55: {  	_ =	shalt  }
0x56: {  	_ =	shalt  }
0x57: {  	_ =	shalt  }
0x58: {  	_ =	shalt  }
0x59: {  	_ =	shalt  }
0x5a: {  	_ =	shalt  }
0x5b: {  	_ =	shalt  }
0x5c: {  	_ =	shalt  }
0x5d: {  	_ =	shalt  }
0x5e: {  	_ =	shalt  }
0x5f: {  	_ =	shalt  }
0x60: {  	_ =	shalt  }
0x61: {  	_ =	shalt  }
0x62: {  	_ =	shalt  }
0x63: {  	_ =	shalt  }
0x64: {  	_ =	shalt  }
0x65: {  	_ =	shalt  }
0x66: {  	_ =	shalt  }
0x67: {  	_ =	shalt  }
0x68: {  	_ =	shalt  }
0x69: {  	_ =	shalt  }
0x6a: {  	_ =	shalt  }
0x6b: {  	_ =	shalt  }
0x6c: {  	_ =	shalt  }
0x6d: {  	_ =	shalt  }
0x6e: {  	_ =	shalt  }
0x6f: {  	_ =	shalt  }
0x70: {  	_ =	shalt  }
0x71: {  	_ =	shalt  }
0x72: {  	_ =	shalt  }
0x73: {  	_ =	shalt  }
0x74: {  	_ =	shalt  }
0x75: {  	_ =	shalt  }
0x76: {  	_ =	shalt  }
0x77: {  	_ =	shalt  }
0x78: {  	_ =	shalt  }
0x79: {  	_ =	shalt  }
0x7a: {  	_ =	shalt  }
0x7b: {  	_ =	shalt  }
0x7c: {  	_ =	shalt  }
0x7d: {  	_ =	shalt  }
0x7e: {  	_ =	shalt  }
0x7f: {  	_ =	shalt  }
0x80: {  	_ =	shalt  }
0x81: {  	_ =	shalt  }
0x82: {  	_ =	shalt  }
0x83: {  	_ =	shalt  }
0x84: {  	_ =	shalt  }
0x85: {  	_ =	shalt  }
0x86: {  	_ =	shalt  }
0x87: {  	_ =	shalt  }
.Lfunc_end0:
.L_simem_size_0:
called_computation_lowered:
.L_overlay_start_0:
0x88: {  	s2 =	sld [smem:$0x3FD9]  }
0x89: {  	s3 =	sld [smem:$0x3FFE];
	_ =	sdelay $0x1  }
0x8a: {  	s1 =	srdreg.scid  }
0x8b: {  	s0 =	sand.u32 $0x1, s1  }
0x8c: {  	s16 =	sshll.u32 s0, $0xA;
	s2 =	sadd.s32 s3, s2  }
0x8d: {  	s2 =	sadd.s32 s2, s16  }
0x8e: {  	[smem:$0x3FC6] =	sst s2  }
0x8f: {  	_ = 	snop  }
0x90: {  	(tm) =	ssettm $0x1  }
0x91: {  	s17 =	sld [smem:$0x3FFB];
	_ =	sdelay $0x3  }
0x92: {  	_ =	strace s17  }
0x93: {  	s2 =	sld [smem:$0x3FFC];
	_ =	sdelay $0x3  }
0x94: {  	_ =	strace s2  }
0x95: {  	s2 =	sld [smem:$0x3FFD];
	_ =	sdelay $0x3  }
0x96: {  	_ =	strace s2  }
0x97: {  	_ =	strace $0x8FFFFFFF  }
0x98: {  	s18 =	sld [smem:$0x3FDB];
	_ =	sdelay $0x1  }
0x99: {  	s19 =	simm.s32 $_scs_section_size  }
0x9a: {  	s4 =	simm.s32 $_size__tile_overlayer_lowered;
	s5 =	simm.s32 $_tile_overlayer_lowered  }
0x9b: {  	s22 =	simm.s32 $0x1BFF;
	s21 =	sshll.u32 s5, $0x1;
	s2 =	sadd.s32 s19, s18  }
0x9c: {  	s6 =	simm.s32 $0x0;
	s20 =	sshll.u32 s4, $0x1;
	s4 =	sadd.s32 s21, s2  }
0x9d: {  	[timem:s6], [sflag:s22] =	dma.local [hbm:s4], s20  }
0x9e: {  	_ =	swait.ge [sflag:s22], s20  }
0x9f: {  	s3 =	ssub.s32 $0x0, s20;
	[sflag:s22] =	ssyncset.done $0x0  }
0xa0: {  	[sflag:s22] =	ssyncadd.s32 s3;
	_ =	sdelay $0x1  }
0xa1: {  	s23 =	simm.s32 $0x1B8B  }
0xa2: {  	_ =	swait.ge [sflag:s23], $0x1  }
0xa3: {  	[sflag:s23] =	ssyncset.done $0x0  }
0xa4: {  	s25 =	simm.s32 $0x1B8E;
	s24 =	sld [smem:$0x3FFE];
	[sflag:s23] =	ssyncadd.s32 $0xFFFFFFFF  }
0xa5: {  	s26 =	simm.s32 $execute0_lowered;
	[smem:$0x3FD2] =	sst s25  }
0xa6: {  	s4 =	sshll.u32 s26, $0x1;
	_ =	strace $0x80000046;
	[dreg:$0x1] =	wrdreg $0xFFFFFFFF  }
0xa7: {  	s28 =	simm.s32 $_size_execute0_lowered;
	s2 =	sadd.s32 s2, s4;
	[dreg:$0x0] =	wrdreg $0x0  }
0xa8: {  	s4 =	sshll.u32 s28, $0x1;
	[dreg:$0x2] =	wrdreg s2  }
0xa9: {  	[dreg:$0x3] =	wrdreg s4  }
0xaa: {  	[dreg:$0x4] =	wrdreg $0xC0  }
0xab: {  	_ =	task [dreg:s6], $0x5FFFF  }
0xac: {  	[dreg:$0x1] =	wrdreg $0xFFFFFFFF  }
0xad: {  	[dreg:$0x0] =	wrdreg $0x60  }
0xae: {  	[dreg:$0x2] =	wrdreg s24  }
0xaf: {  	[dreg:$0x3] =	wrdreg $0x9  }
0xb0: {  	_ =	task.clear_ibuf [dreg:s6], $0x4FFFF;
	_ =	strace $0x90000046  }
0xb1: {  	s29 =	simm.s32 $0x9;
	_ =	strace $0x80000048  }
0xb2: {  	_ =	swait.ge [sflag:s29], $0x1  }
0xb3: {  	[sflag:s29] =	ssyncadd.s32 $0xFFFFFFFF  }
0xb4: {  	_ =	strace $0x90000048  }
0xb5: {  	_ =	sfence  }
0xb6: {  	s30 =	sld [smem:$0x0];
	_ =	sdelay $0x2  }
0xb7: {  	s31 =	sshll.u32 s1, $0xD;
	s1 =	sshrl.u32 s1, $0x2  }
0xb8: {  	s3 =	sand.u32 $0x4000, s31;
	s1 =	sadd.s32 s1, s30  }
0xb9: {  	s0 =	sor.u32 s3, s0;
	s1 =	sshll.u32 s1, $0x11  }
0xba: {  	s0 =	sor.u32 s1, s0  }
0xbb: {  	s0 =	sadd.s32 $0x8F2B, s0  }
0xbc: {  	[sflag:s0] =	ssyncadd.remote.s32 $0x1  }
0xbd: {  	_ =	sfence.sel $0xFFFF  }
0xbe: {  	[dreg:$0x0] =	wrdreg $0xFFFFFFFF;
	(pc) =	sbr.abs _section_cstart, $3  }
0xbf: {  	[dreg:$0x1] =	wrdreg $0xFFFFFFFF  }
0xc0: {  	_ =	task.clear_ibuf [dreg:s6], $0x2FFFF;
	_ =	strace $0x9FFFFFFF  }
0xc1: {  	(tm) =	ssettm $0x7FFFFFFF  }
tec
execute0_lowered:
.L_overlay_start_1:
0x0: {  	(tag) =	ssettag $0x1  }
0x1: {  	s1 =	srdreg.scid  }
0x2: {  	s0 =	stileid.u32;
	s6 =	sand.u32 $0x1, s1  }
0x3: {  	s30 =	sshll.u32 s0, $0x4;
	s2 =	sshll.u32 s6, $0x3  }
0x4: {  	s8 =	rddreg [dreg:$0x0];
	s9 =	sor.u32 s2, s30  }
0x5: {  	s1 =	rddreg [dreg:$0x1];
	s2 =	simm.s32 $0x0;
	s3 =	sshrl.u32 s9, $0x3  }
0x6: {  	[smem:$0x7FF] =	sst s2;
	s3 =	sadd.s32 s3, s8  }
0x7: {  	_ =	strace $0x80000047;
	s4 =	sadd.s32 $0x20E00, s3;
	s3 =	simm.s32 $0x2  }
0x8: {  	[tilespmem:s2], [sflag:$0x2] =	stream.linear.gather [hbm4b:s4+s2], $0x8, $0x38;
	[tilespmem:$0x880] =	vst v63  }
0x9: {  	_ =	swait.ge [sflag:s3], $0x8  }
0xa: {  	[sflag:s3] =	ssyncset.done $0x0  }
0xb: {  	[sflag:s3] =	ssyncadd.s32 $0xFFFFFFF8  }
0xc: {  	v0 =	vld.msk [tilespmem:$0x0], $0xff;
	_ =	sdelay $0x4  }
0xd: {  	v1 =	vshll.u32 v0, $0x1  }
0xe: {  	v2 =	vlaneseq.u32;
	v3 =	vand.u32 $0x7, v0;
	v1 =	vand.u32 $0xFFFFFFF0, v1  }
0xf: {  	v0 =	vand.u32 $0x7, v2;
	v2 =	vshrl.u32 v2, $0x3;
	v3 =	vor.u32 v3, v1  }
0x10: {  	v1 =	vmul.u32 $0x8, v2;
	v2 =	vperm.xlane v3, v0;
	_ =	sdelay $0x1  }
0x11: {  	v2 =	vadd.s32 v1, v2  }
0x12: {  	s10 =	ssub.s32 $0x2, s6  }
0x13: {  	s7 =	simm.s32 $0x1;
	s11 =	sshrl.u32 s10, $0x1  }
0x14: {  	s5 =	sadd.s32 $0xE00, s8;
	s9 =	sshll.u32 s9, $0x5;
	s31 =	ssub.s32 s10, s11  }
0x15: {  	vm0 =	vmmov $0xffff;
	s6 =	simm.s32 $0x80;
	s8 =	sadd.s32 s9, s8;
	s9 =	smax.u32 s31, $0x1  }
0x16: {  	[tilespmem:s6], [sflag:$0x1] =	stream.indirect_vreg.gather [hbm4b:s5+s2], $0x80, v2, vm0, $0xb8;
	[tilespmem:$0x880] =	vst v63  }
0x17: {  	p0 =	sne.s32 s9, $0x1;
	_ =	swait.ge [sflag:s7], $0x800  }
.Ltmp0:
0x18: {  	[sflag:s7] =	ssyncset.done $0x0;
	(pc) =	sbr.rel @!p0 .LBB2_2-.Ltmp0, $4  }
0x19: {  	s8 =	sadd.s32 $0x21000, s8;
	[sflag:s7] =	ssyncadd.s32 $0xFFFFF800  }
0x1a: {  	[hbm4b:s8+s2] =	stream.linear.scatter [tilespmem:s6], [sflag:$0x2], $0x800, $0x38;
	[tilespmem:$0x880] =	vst v63  }
0x1b: {  	_ =	swait.ge [sflag:s3], $0x800  }
0x1c: {  	s9 =	sadd.s32 $0xFFFFFFFF, s9;
	[sflag:s3] =	ssyncset.done $0x0  }
.LBB2_1:
0x1d: {  	p0 =	sne.s32 s9, $0x1;
	s9 =	sadd.s32 $0xFFFFFFFF, s9;
	[sflag:s3] =	ssyncadd.s32 $0xFFFFF800  }
0x1e: {  	[tilespmem:s2], [sflag:$0x2] =	stream.linear.gather [hbm4b:s4+s2], $0x8, $0x38;
	[tilespmem:$0x880] =	vst v63  }
0x1f: {  	_ =	swait.ge [sflag:s3], $0x8  }
0x20: {  	[sflag:s3] =	ssyncset.done $0x0  }
0x21: {  	[sflag:s3] =	ssyncadd.s32 $0xFFFFFFF8  }
0x22: {  	v2 =	vld.msk [tilespmem:$0x0], $0xff;
	_ =	sdelay $0x4  }
0x23: {  	v3 =	vshll.u32 v2, $0x1  }
0x24: {  	v2 =	vand.u32 $0x7, v2;
	v3 =	vand.u32 $0xFFFFFFF0, v3  }
0x25: {  	v2 =	vor.u32 v2, v3  }
0x26: {  	v2 =	vperm.xlane v2, v0;
	_ =	sdelay $0x1  }
0x27: {  	v2 =	vadd.s32 v1, v2;
	_ =	sdelay $0x4  }
0x28: {  	[tilespmem:s6], [sflag:$0x1] =	stream.indirect_vreg.gather [hbm4b:s5+s2], $0x80, v2, vm0, $0xb8;
	[tilespmem:$0x880] =	vst v63  }
0x29: {  	_ =	swait.ge [sflag:s7], $0x800  }
.Ltmp1:
0x2a: {  	[sflag:s7] =	ssyncset.done $0x0;
	(pc) =	sbr.rel @p0 .LBB2_1-.Ltmp1, $4  }
0x2b: {  	[sflag:s7] =	ssyncadd.s32 $0xFFFFF800  }
0x2c: {  	[hbm4b:s8+s2] =	stream.linear.scatter [tilespmem:s6], [sflag:$0x2], $0x800, $0x38;
	[tilespmem:$0x880] =	vst v63  }
0x2d: {  	_ =	swait.ge [sflag:s3], $0x800  }
0x2e: {  	[sflag:s3] =	ssyncset.done $0x0  }
.LBB2_2:
0x2f: {  	[sflag:s3] =	ssyncadd.s32 $0xFFFFF800  }
0x30: {  	_ =	sfence.sel $0x180000  }
0x31: {  	[bflag:$0x0] =	sbarrier.arrive $0xFFFF  }
0x32: {  	p0 =	sne.s32 s0, $0x0;
	_ =	strace $0x90000047  }
0x33: {  	s0 =	sadd.s32 @!p0 $0x100000, s1;
	[bflag:$0x2] =	sbarrier.arrive $0xFFFF  }
0x34: {  	[sflag:s0] =	ssyncadd.tile.s32 @!p0 $0x1;
	_ =	shalt  }
.Lfunc_end2:
_tile_overlayer_lowered:
.L_overlay_start_2:
0x35: {  	(tag) =	ssettag $0x2  }
0x36: {  	s0 =	rddreg [dreg:$0x0];
	s2 =	stileid.u32  }
0x37: {  	s1 =	rddreg [dreg:$0x1];
	p0 =	sne.s32 s2, $0x0  }
0x38: {  	s3 =	rddreg [dreg:$0x2];
	[bflag:$0x3] =	sbarrier.arrive $0xFFFF;
	s2 =	simm.s32 @!p0 $0x1C02  }
0x39: {  	[timem:s3], [sflag:s2] =	dma.local @!p0 [hbm:s0], s1  }
0x3a: {  	s0 =	simm.s32 @!p0 $0x2  }
0x3b: {  	_ =	swait.ge @!p0 [sflag:s0], s1  }
0x3c: {  	s1 =	ssub.s32 @!p0 $0x0, s1;
	[sflag:s0] =	ssyncset.done @!p0 $0x0  }
0x3d: {  	[sflag:s0] =	ssyncadd.s32 @!p0 s1  }
0x3e: {  	[bflag:$0x3] =	sbarrier.arrive $0xFFFF  }
0x3f: {  	_ =	shalt  }

</sc_bundles>
